<compile_context>
chip_gen: v7x
topology: tpu7x:2x2x1
jax: 0.10.2.dev20260603
libtpu: 0.0.44.dev20260713+nightly
codegen_flags: <defaults>
</compile_context>

<pallas_src>
import functools

import jax
import jax.numpy as jnp
from jax import lax
from jax.experimental import pallas as pl
from jax.experimental.pallas import tpu as pltpu
from jax.experimental.pallas import tpu_sc as plsc

_D = 1024
_B = 4 * 4096
_SCALE = 32.0
_NC = 2
_NS = 16
_NW = _NC * _NS
_BPW = _B // _NW
_CHUNK = 16
_NCHUNK = _BPW // _CHUNK
_NBUF = 4
_NGROUP = _NCHUNK // _NBUF
_LANES = 16


def _emb_body(x_hbm, table_hbm, out_hbm, idx_v,
              buf0, buf1, buf2, buf3,
              gsem0, gsem1, gsem2, gsem3, osem0, osem1, osem2, osem3):
    wid = lax.axis_index("s") * _NC + lax.axis_index("c")
    base = wid * _BPW
    wpr = 4096 // _BPW
    pltpu.sync_copy(
        x_hbm.at[wid // wpr, pl.ds((wid % wpr) * _BPW, _BPW)], idx_v)

    bufs = (buf0, buf1, buf2, buf3)
    gsems = (gsem0, gsem1, gsem2, gsem3)
    osems = (osem0, osem1, osem2, osem3)

    def gstart(c, b):
        pltpu.async_copy(
            table_hbm.at[idx_v.at[pl.ds(c * _CHUNK, _CHUNK)]],
            bufs[b],
            gsems[b],
        )

    def gwait(b):
        pltpu.make_async_copy(
            table_hbm.at[idx_v.at[pl.ds(0, _CHUNK)]],
            bufs[b],
            gsems[b],
        ).wait()

    def ostart(c, b):
        pltpu.async_copy(
            bufs[b],
            out_hbm.at[pl.ds(base + c * _CHUNK, _CHUNK)],
            osems[b],
        )

    def owait(b):
        pltpu.make_async_copy(
            bufs[b],
            out_hbm.at[pl.ds(0, _CHUNK)],
            osems[b],
        ).wait()

    def scale(b):
        buf = bufs[b]

        def row_body(r, carry):
            @plsc.parallel_loop(0, _D // _LANES, step=1, unroll=8)
            def _(j):
                sl = pl.ds(j * _LANES, _LANES)
                buf[r, sl] = buf[r, sl] * _SCALE

            return carry

        lax.fori_loop(0, _CHUNK, row_body, 0)

    gstart(0, 0)
    gstart(1, 1)

    def group(i, carry):
        c = i * _NBUF
        for k in range(_NBUF):
            b = k
            nb = (k + 2) % _NBUF
            gwait(b)
            scale(b)
            ostart(c + k, b)
            if k < 2:
                @pl.when(i >= 1)
                def _():
                    owait(nb)

                gstart(c + k + 2, nb)
            else:
                @pl.when(i <= _NGROUP - 2)
                def _():
                    owait(nb)
                    gstart(c + k + 2, nb)

        return carry

    lax.fori_loop(0, _NGROUP, group, 0)

    for b in range(_NBUF):
        owait(b)


@jax.jit
def _emb(x2d, table):
    mesh = plsc.VectorSubcoreMesh(core_axis_name="c", subcore_axis_name="s")
    run = functools.partial(
        pl.kernel,
        mesh=mesh,
        out_type=jax.ShapeDtypeStruct((_B, _D), jnp.float32),
        scratch_types=[
            pltpu.VMEM((_BPW,), jnp.int32),
            pltpu.VMEM((_CHUNK, _D), jnp.float32),
            pltpu.VMEM((_CHUNK, _D), jnp.float32),
            pltpu.VMEM((_CHUNK, _D), jnp.float32),
            pltpu.VMEM((_CHUNK, _D), jnp.float32),
            pltpu.SemaphoreType.DMA,
            pltpu.SemaphoreType.DMA,
            pltpu.SemaphoreType.DMA,
            pltpu.SemaphoreType.DMA,
            pltpu.SemaphoreType.DMA,
            pltpu.SemaphoreType.DMA,
            pltpu.SemaphoreType.DMA,
            pltpu.SemaphoreType.DMA,
        ],
    )(_emb_body)
    return run(x2d, table)


def kernel(x, table):
    out = _emb(x.astype(jnp.int32), table)
    return out.reshape(x.shape + (_D,))

# --- scband reference (transcript-rebuilt; emitter-appended) ---
"""Pipeline reference for scband-input-enbedding-6657199309012 (READ-ONLY COPY).

The authoritative reference and input builder live on the scoring server;
editing this copy changes nothing except your own understanding.
"""

import jax, jax.numpy as jnp
import numpy as np

D_MODEL = 1024
VOCAB_SIZE = 100000

def setup_inputs(seed: int = 0) -> dict:
    key = jax.random.key(seed)
    k1, k2 = jax.random.split(key)
    x = jax.random.randint(k1, (4, 4096), 0, VOCAB_SIZE, dtype=jnp.int64)
    table = jax.random.normal(k2, (VOCAB_SIZE, D_MODEL), dtype=jnp.float32)
    return {"x": x, "table": table}

def reference(x, table):
    # nn.Embedding lookup scaled by sqrt(d_model)
    emb = jnp.take(table, x, axis=0)
    return emb * jnp.sqrt(jnp.asarray(D_MODEL, dtype=jnp.float32))

if __name__ == "__main__":
    import jax
    _d = setup_inputs()
    print(jax.jit(kernel)(*tuple(_d.values())))

</pallas_src>

<mosaic_0001>
#map = affine_map<(d0, d1) -> (0, 0)>
module attributes {stable_mosaic.version = 14 : i64} {
  func.func @_emb_body(%arg0: i32, %arg1: i32, %arg2: memref<4x4096xi32, #tpu.memory_space<hbm>>, %arg3: memref<100000x1024xf32, #tpu.memory_space<hbm>>, %arg4: memref<16384x1024xf32, #tpu.memory_space<hbm>>, %arg5: memref<512xi32, #tpu.memory_space<vmem>>, %arg6: memref<16x1024xf32, #tpu.memory_space<vmem>>, %arg7: memref<16x1024xf32, #tpu.memory_space<vmem>>, %arg8: memref<16x1024xf32, #tpu.memory_space<vmem>>, %arg9: memref<16x1024xf32, #tpu.memory_space<vmem>>, %arg10: memref<!tpu.dma_semaphore, #tpu.memory_space<semaphore_mem>>, %arg11: memref<!tpu.dma_semaphore, #tpu.memory_space<semaphore_mem>>, %arg12: memref<!tpu.dma_semaphore, #tpu.memory_space<semaphore_mem>>, %arg13: memref<!tpu.dma_semaphore, #tpu.memory_space<semaphore_mem>>, %arg14: memref<!tpu.dma_semaphore, #tpu.memory_space<semaphore_mem>>, %arg15: memref<!tpu.dma_semaphore, #tpu.memory_space<semaphore_mem>>, %arg16: memref<!tpu.dma_semaphore, #tpu.memory_space<semaphore_mem>>, %arg17: memref<!tpu.dma_semaphore, #tpu.memory_space<semaphore_mem>>) attributes {dimension_semantics = [#tpu.dimension_semantics<core_parallel>, #tpu.dimension_semantics<subcore_parallel>], iteration_bounds = array<i64: 2, 16>, scalar_prefetch = 0 : i64, scratch_operands = 13 : i64, tpu.core_type = #tpu.core_type<sc_vector_subcore>, window_params = [{transform_indices = #map}, {transform_indices = #map}, {transform_indices = #map}]} {
    %mul3A = arith.constant 2 : i32
    %mul3A_0 = arith.muli %arg1, %mul3A : i32
    %add3A = arith.addi %mul3A_0, %arg0 : i32
    %mul3A_1 = arith.constant 512 : i32
    %mul3A_2 = arith.muli %add3A, %mul3A_1 : i32
    %jit3A = arith.constant 8 : i32
    %div3A = arith.divsi %add3A, %jit3A : i32
    %sign3A = arith.constant 0 : i32
    %sign3A_3 = arith.cmpi sgt, %add3A, %sign3A : i32
    %sign3A_4 = arith.extui %sign3A_3 : i1 to i32
    %sign3A_5 = arith.constant 0 : i32
    %sign3A_6 = arith.cmpi slt, %add3A, %sign3A_5 : i32
    %sign3A_7 = arith.extui %sign3A_6 : i1 to i32
    %sign3A_8 = arith.subi %sign3A_4, %sign3A_7 : i32
    %sign3A_9 = arith.constant 0 : i32
    %sign3A_10 = arith.cmpi sgt, %jit3A, %sign3A_9 : i32
    %sign3A_11 = arith.extui %sign3A_10 : i1 to i32
    %sign3A_12 = arith.constant 0 : i32
    %sign3A_13 = arith.cmpi slt, %jit3A, %sign3A_12 : i32
    %sign3A_14 = arith.extui %sign3A_13 : i1 to i32
    %sign3A_15 = arith.subi %sign3A_11, %sign3A_14 : i32
    %ne3A = arith.cmpi ne, %sign3A_8, %sign3A_15 : i32
    %rem3A = arith.remsi %add3A, %jit3A : i32
    %ne3A_16 = arith.constant 0 : i32
    %ne3A_17 = arith.cmpi ne, %rem3A, %ne3A_16 : i32
    %and3A = arith.andi %ne3A, %ne3A_17 : i1
    %sub3A = arith.constant 1 : i32
    %sub3A_18 = arith.subi %div3A, %sub3A : i32
    %select_n3A = arith.select %and3A, %sub3A_18, %div3A : i32
    %jit3A_19 = arith.constant 8 : i32
    %eq3A = arith.constant 0 : i32
    %eq3A_20 = arith.cmpi eq, %jit3A_19, %eq3A : i32
    %jit3A_21 = arith.constant 1 : i32
    %select_n3A_22 = arith.select %eq3A_20, %jit3A_21, %jit3A_19 : i32
    %rem3A_23 = arith.remsi %add3A, %select_n3A_22 : i32
    %ne3A_24 = arith.constant 0 : i32
    %ne3A_25 = arith.cmpi ne, %rem3A_23, %ne3A_24 : i32
    %lt3A = arith.constant 0 : i32
    %lt3A_26 = arith.cmpi slt, %rem3A_23, %lt3A : i32
    %lt3A_27 = arith.constant 0 : i32
    %lt3A_28 = arith.cmpi slt, %select_n3A_22, %lt3A_27 : i32
    %ne3A_29 = arith.xori %lt3A_26, %lt3A_28 : i1
    %and3A_30 = arith.andi %ne3A_29, %ne3A_25 : i1
    %add3A_31 = arith.addi %rem3A_23, %select_n3A_22 : i32
    %select_n3A_32 = arith.select %and3A_30, %add3A_31, %rem3A_23 : i32
    %mul3A_33 = arith.constant 512 : i32
    %mul3A_34 = arith.muli %select_n3A_32, %mul3A_33 : i32
    "tpu.region"() ({
      %run_scoped3A = tpu.sem_alloc : memref<!tpu.dma_semaphore, #tpu.memory_space<semaphore_mem>>
      %dma_start3A_72 = tpu.memref_slice %arg2[%select_n3A, %mul3A_34] : memref<4x4096xi32, #tpu.memory_space<hbm>> -> memref<1x512xi32, #tpu.memory_space<hbm>>
      %dma_start3A_73 = tpu.memref_squeeze %dma_start3A_72 : memref<1x512xi32, #tpu.memory_space<hbm>> -> memref<512xi32, #tpu.memory_space<hbm>>
      %dma_start3A_74 = tpu.memref_slice %arg2[%select_n3A, %mul3A_34] : memref<4x4096xi32, #tpu.memory_space<hbm>> -> memref<1x512xi32, #tpu.memory_space<hbm>>
      %dma_start3A_75 = tpu.memref_squeeze %dma_start3A_74 : memref<1x512xi32, #tpu.memory_space<hbm>> -> memref<512xi32, #tpu.memory_space<hbm>>
      tpu.enqueue_dma source(%dma_start3A_75 : memref<512xi32, #tpu.memory_space<hbm>>) target(%arg5 : memref<512xi32, #tpu.memory_space<vmem>>) target_semaphore(%run_scoped3A : memref<!tpu.dma_semaphore, #tpu.memory_space<semaphore_mem>>)
      %dma_wait3A_76 = tpu.memref_slice %arg2[%select_n3A, %mul3A_34] : memref<4x4096xi32, #tpu.memory_space<hbm>> -> memref<1x512xi32, #tpu.memory_space<hbm>>
      %dma_wait3A_77 = tpu.memref_squeeze %dma_wait3A_76 : memref<1x512xi32, #tpu.memory_space<hbm>> -> memref<512xi32, #tpu.memory_space<hbm>>
      %dma_wait3A_78 = tpu.memref_slice %arg2[%select_n3A, %mul3A_34] : memref<4x4096xi32, #tpu.memory_space<hbm>> -> memref<1x512xi32, #tpu.memory_space<hbm>>
      %dma_wait3A_79 = tpu.memref_squeeze %dma_wait3A_78 : memref<1x512xi32, #tpu.memory_space<hbm>> -> memref<512xi32, #tpu.memory_space<hbm>>
      tpu.wait_dma2 semaphore(%run_scoped3A : memref<!tpu.dma_semaphore, #tpu.memory_space<semaphore_mem>>) src(%dma_wait3A_79 : memref<512xi32, #tpu.memory_space<hbm>>) dst(%arg5 : memref<512xi32, #tpu.memory_space<vmem>>)
      tpu.yield
    }) : () -> ()
    %dma_start3A = arith.constant 0 : i32
    %dma_start3A_35 = tpu.memref_slice %arg5[%dma_start3A] : memref<512xi32, #tpu.memory_space<vmem>> -> memref<16xi32, #tpu.memory_space<vmem>>
    %dma_start3A_36 = arith.constant 0 : i32
    %dma_start3A_37 = arith.constant 0 : i32
    %dma_start3A_38 = tpu.memref_slice %arg3[%dma_start3A_36, %dma_start3A_37] : memref<100000x1024xf32, #tpu.memory_space<hbm>> -> memref<100000x1024xf32, #tpu.memory_space<hbm>>
    tpu.enqueue_indirect_dma source(%dma_start3A_38 : memref<100000x1024xf32, #tpu.memory_space<hbm>>) target(%arg6 : memref<16x1024xf32, #tpu.memory_space<vmem>>) offsets(%dma_start3A_35 : memref<16xi32, #tpu.memory_space<vmem>>) semaphore(%arg10 : memref<!tpu.dma_semaphore, #tpu.memory_space<semaphore_mem>>)
    %dma_start3A_39 = arith.constant 16 : i32
    %dma_start3A_40 = tpu.memref_slice %arg5[%dma_start3A_39] : memref<512xi32, #tpu.memory_space<vmem>> -> memref<16xi32, #tpu.memory_space<vmem>>
    %dma_start3A_41 = arith.constant 0 : i32
    %dma_start3A_42 = arith.constant 0 : i32
    %dma_start3A_43 = tpu.memref_slice %arg3[%dma_start3A_41, %dma_start3A_42] : memref<100000x1024xf32, #tpu.memory_space<hbm>> -> memref<100000x1024xf32, #tpu.memory_space<hbm>>
    tpu.enqueue_indirect_dma source(%dma_start3A_43 : memref<100000x1024xf32, #tpu.memory_space<hbm>>) target(%arg7 : memref<16x1024xf32, #tpu.memory_space<vmem>>) offsets(%dma_start3A_40 : memref<16xi32, #tpu.memory_space<vmem>>) semaphore(%arg11 : memref<!tpu.dma_semaphore, #tpu.memory_space<semaphore_mem>>)
    %scan3A = arith.constant 0 : i32
    %scan3A_44 = arith.constant 0 : i32
    %scan3A_45 = arith.constant 8 : i32
    %scan3A_46 = arith.addi %scan3A_44, %scan3A_45 : i32
    %scan3A_47 = arith.constant 1 : i32
    scf.for %scan3A_72 = %scan3A_44 to %scan3A_46 step %scan3A_47  : i32 {
      %mul3A_73 = arith.constant 4 : i32
      %mul3A_74 = arith.muli %scan3A_72, %mul3A_73 : i32
      %dma_wait3A_75 = arith.constant 0 : i32
      %dma_wait3A_76 = tpu.memref_slice %arg5[%dma_wait3A_75] : memref<512xi32, #tpu.memory_space<vmem>> -> memref<16xi32, #tpu.memory_space<vmem>>
      %dma_wait3A_77 = arith.constant 0 : i32
      %dma_wait3A_78 = arith.constant 0 : i32
      %dma_wait3A_79 = tpu.memref_slice %arg3[%dma_wait3A_77, %dma_wait3A_78] : memref<100000x1024xf32, #tpu.memory_space<hbm>> -> memref<100000x1024xf32, #tpu.memory_space<hbm>>
      tpu.wait_indirect_dma semaphore(%arg10 : memref<!tpu.dma_semaphore, #tpu.memory_space<semaphore_mem>>) src(%dma_wait3A_79 : memref<100000x1024xf32, #tpu.memory_space<hbm>>) dst(%arg6 : memref<16x1024xf32, #tpu.memory_space<vmem>>)
      %scan3A_80 = arith.constant 0 : i32
      %scan3A_81 = arith.constant 0 : i32
      %scan3A_82 = arith.constant 16 : i32
      %scan3A_83 = arith.addi %scan3A_81, %scan3A_82 : i32
      %scan3A_84 = arith.constant 1 : i32
      scf.for %scan3A_191 = %scan3A_81 to %scan3A_83 step %scan3A_84  : i32 {
        %parallel_loop3A = arith.constant 0 : i32
        %parallel_loop3A_192 = arith.constant 64 : i32
        %parallel_loop3A_193 = arith.constant 1 : i32
        scf.for %parallel_loop3A_194 = %parallel_loop3A to %parallel_loop3A_192 step %parallel_loop3A_193  : i32 {
          %parallel_loop3A_195 = arith.constant 16 : i32
          %parallel_loop3A_196 = arith.muli %parallel_loop3A_194, %parallel_loop3A_195 : i32
          %parallel_loop3A_197 = arith.index_cast %scan3A_191 : i32 to index
          %parallel_loop3A_198 = arith.index_cast %parallel_loop3A_196 : i32 to index
          %parallel_loop3A_199 = tpu.vector_load %arg6[%parallel_loop3A_197, %parallel_loop3A_198] {strides = array<i32>} : memref<16x1024xf32, #tpu.memory_space<vmem>>, vector<1x16xf32>,
          %parallel_loop3A_200 = vector.shape_cast %parallel_loop3A_199 : vector<1x16xf32> to vector<16xf32>
          %parallel_loop3A_201 = arith.constant 3.200000e+01 : f32
          %parallel_loop3A_202 = vector.broadcast %parallel_loop3A_201 : f32 to vector<16xf32>
          %parallel_loop3A_203 = arith.mulf %parallel_loop3A_200, %parallel_loop3A_202 : vector<16xf32>
          %parallel_loop3A_204 = arith.index_cast %scan3A_191 : i32 to index
          %parallel_loop3A_205 = arith.index_cast %parallel_loop3A_196 : i32 to index
          %parallel_loop3A_206 = tpu.vector_load %arg6[%parallel_loop3A_204, %parallel_loop3A_205] {strides = array<i32>} : memref<16x1024xf32, #tpu.memory_space<vmem>>, vector<1x16xf32>,
          %parallel_loop3A_207 = vector.shape_cast %parallel_loop3A_206 : vector<1x16xf32> to vector<16xf32>
          %parallel_loop3A_208 = vector.shape_cast %parallel_loop3A_203 : vector<16xf32> to vector<1x16xf32>
          tpu.vector_store %arg6[%parallel_loop3A_204, %parallel_loop3A_205], %parallel_loop3A_208 {strides = array<i32>} : memref<16x1024xf32, #tpu.memory_space<vmem>>, vector<1x16xf32>,
        } {sc.loop_unroll_factor = 8 : i64, sc.parallel_access}
      }
      %scan3A_85 = arith.constant 16 : i32
      %add3A_86 = arith.constant 0 : i32
      %add3A_87 = arith.addi %mul3A_74, %add3A_86 : i32
      %mul3A_88 = arith.constant 16 : i32
      %mul3A_89 = arith.muli %add3A_87, %mul3A_88 : i32
      %add3A_90 = arith.addi %mul3A_2, %mul3A_89 : i32
      %dma_start3A_91 = arith.constant 0 : i32
      %dma_start3A_92 = tpu.memref_slice %arg4[%add3A_90, %dma_start3A_91] : memref<16384x1024xf32, #tpu.memory_space<hbm>> -> memref<16x1024xf32, #tpu.memory_space<hbm>>
      %dma_start3A_93 = arith.constant 0 : i32
      %dma_start3A_94 = tpu.memref_slice %arg4[%add3A_90, %dma_start3A_93] : memref<16384x1024xf32, #tpu.memory_space<hbm>> -> memref<16x1024xf32, #tpu.memory_space<hbm>>
      tpu.enqueue_dma source(%arg6 : memref<16x1024xf32, #tpu.memory_space<vmem>>) target(%dma_start3A_94 : memref<16x1024xf32, #tpu.memory_space<hbm>>) target_semaphore(%arg14 : memref<!tpu.dma_semaphore, #tpu.memory_space<semaphore_mem>>)
      %ge3A = arith.constant 1 : i32
      %ge3A_95 = arith.cmpi sge, %scan3A_72, %ge3A : i32
      %convert_element_type3A = arith.extui %ge3A_95 : i1 to i32
      %cond3A = arith.constant 0 : i32
      %cond3A_96 = arith.cmpi ne, %convert_element_type3A, %cond3A : i32
      scf.if %cond3A_96 {
        %dma_wait3A_191 = arith.constant 0 : i32
        %dma_wait3A_192 = arith.constant 0 : i32
        %dma_wait3A_193 = tpu.memref_slice %arg4[%dma_wait3A_191, %dma_wait3A_192] : memref<16384x1024xf32, #tpu.memory_space<hbm>> -> memref<16x1024xf32, #tpu.memory_space<hbm>>
        %dma_wait3A_194 = arith.constant 0 : i32
        %dma_wait3A_195 = arith.constant 0 : i32
        %dma_wait3A_196 = tpu.memref_slice %arg4[%dma_wait3A_194, %dma_wait3A_195] : memref<16384x1024xf32, #tpu.memory_space<hbm>> -> memref<16x1024xf32, #tpu.memory_space<hbm>>
        tpu.wait_dma2 semaphore(%arg16 : memref<!tpu.dma_semaphore, #tpu.memory_space<semaphore_mem>>) src(%arg8 : memref<16x1024xf32, #tpu.memory_space<vmem>>) dst(%dma_wait3A_196 : memref<16x1024xf32, #tpu.memory_space<hbm>>)
      } else {
      }
      %add3A_97 = arith.constant 0 : i32
      %add3A_98 = arith.addi %mul3A_74, %add3A_97 : i32
      %add3A_99 = arith.constant 2 : i32
      %add3A_100 = arith.addi %add3A_98, %add3A_99 : i32
      %mul3A_101 = arith.constant 16 : i32
      %mul3A_102 = arith.muli %add3A_100, %mul3A_101 : i32
      %dma_start3A_103 = tpu.memref_slice %arg5[%mul3A_102] : memref<512xi32, #tpu.memory_space<vmem>> -> memref<16xi32, #tpu.memory_space<vmem>>
      %dma_start3A_104 = arith.constant 0 : i32
      %dma_start3A_105 = arith.constant 0 : i32
      %dma_start3A_106 = tpu.memref_slice %arg3[%dma_start3A_104, %dma_start3A_105] : memref<100000x1024xf32, #tpu.memory_space<hbm>> -> memref<100000x1024xf32, #tpu.memory_space<hbm>>
      tpu.enqueue_indirect_dma source(%dma_start3A_106 : memref<100000x1024xf32, #tpu.memory_space<hbm>>) target(%arg8 : memref<16x1024xf32, #tpu.memory_space<vmem>>) offsets(%dma_start3A_103 : memref<16xi32, #tpu.memory_space<vmem>>) semaphore(%arg12 : memref<!tpu.dma_semaphore, #tpu.memory_space<semaphore_mem>>)
      %dma_wait3A_107 = arith.constant 0 : i32
      %dma_wait3A_108 = tpu.memref_slice %arg5[%dma_wait3A_107] : memref<512xi32, #tpu.memory_space<vmem>> -> memref<16xi32, #tpu.memory_space<vmem>>
      %dma_wait3A_109 = arith.constant 0 : i32
      %dma_wait3A_110 = arith.constant 0 : i32
      %dma_wait3A_111 = tpu.memref_slice %arg3[%dma_wait3A_109, %dma_wait3A_110] : memref<100000x1024xf32, #tpu.memory_space<hbm>> -> memref<100000x1024xf32, #tpu.memory_space<hbm>>
      tpu.wait_indirect_dma semaphore(%arg11 : memref<!tpu.dma_semaphore, #tpu.memory_space<semaphore_mem>>) src(%dma_wait3A_111 : memref<100000x1024xf32, #tpu.memory_space<hbm>>) dst(%arg7 : memref<16x1024xf32, #tpu.memory_space<vmem>>)
      %scan3A_112 = arith.constant 0 : i32
      %scan3A_113 = arith.constant 0 : i32
      %scan3A_114 = arith.constant 16 : i32
      %scan3A_115 = arith.addi %scan3A_113, %scan3A_114 : i32
      %scan3A_116 = arith.constant 1 : i32
      scf.for %scan3A_191 = %scan3A_113 to %scan3A_115 step %scan3A_116  : i32 {
        %parallel_loop3A = arith.constant 0 : i32
        %parallel_loop3A_192 = arith.constant 64 : i32
        %parallel_loop3A_193 = arith.constant 1 : i32
        scf.for %parallel_loop3A_194 = %parallel_loop3A to %parallel_loop3A_192 step %parallel_loop3A_193  : i32 {
          %parallel_loop3A_195 = arith.constant 16 : i32
          %parallel_loop3A_196 = arith.muli %parallel_loop3A_194, %parallel_loop3A_195 : i32
          %parallel_loop3A_197 = arith.index_cast %scan3A_191 : i32 to index
          %parallel_loop3A_198 = arith.index_cast %parallel_loop3A_196 : i32 to index
          %parallel_loop3A_199 = tpu.vector_load %arg7[%parallel_loop3A_197, %parallel_loop3A_198] {strides = array<i32>} : memref<16x1024xf32, #tpu.memory_space<vmem>>, vector<1x16xf32>,
          %parallel_loop3A_200 = vector.shape_cast %parallel_loop3A_199 : vector<1x16xf32> to vector<16xf32>
          %parallel_loop3A_201 = arith.constant 3.200000e+01 : f32
          %parallel_loop3A_202 = vector.broadcast %parallel_loop3A_201 : f32 to vector<16xf32>
          %parallel_loop3A_203 = arith.mulf %parallel_loop3A_200, %parallel_loop3A_202 : vector<16xf32>
          %parallel_loop3A_204 = arith.index_cast %scan3A_191 : i32 to index
          %parallel_loop3A_205 = arith.index_cast %parallel_loop3A_196 : i32 to index
          %parallel_loop3A_206 = tpu.vector_load %arg7[%parallel_loop3A_204, %parallel_loop3A_205] {strides = array<i32>} : memref<16x1024xf32, #tpu.memory_space<vmem>>, vector<1x16xf32>,
          %parallel_loop3A_207 = vector.shape_cast %parallel_loop3A_206 : vector<1x16xf32> to vector<16xf32>
          %parallel_loop3A_208 = vector.shape_cast %parallel_loop3A_203 : vector<16xf32> to vector<1x16xf32>
          tpu.vector_store %arg7[%parallel_loop3A_204, %parallel_loop3A_205], %parallel_loop3A_208 {strides = array<i32>} : memref<16x1024xf32, #tpu.memory_space<vmem>>, vector<1x16xf32>,
        } {sc.loop_unroll_factor = 8 : i64, sc.parallel_access}
      }
      %scan3A_117 = arith.constant 16 : i32
      %add3A_118 = arith.constant 1 : i32
      %add3A_119 = arith.addi %mul3A_74, %add3A_118 : i32
      %mul3A_120 = arith.constant 16 : i32
      %mul3A_121 = arith.muli %add3A_119, %mul3A_120 : i32
      %add3A_122 = arith.addi %mul3A_2, %mul3A_121 : i32
      %dma_start3A_123 = arith.constant 0 : i32
      %dma_start3A_124 = tpu.memref_slice %arg4[%add3A_122, %dma_start3A_123] : memref<16384x1024xf32, #tpu.memory_space<hbm>> -> memref<16x1024xf32, #tpu.memory_space<hbm>>
      %dma_start3A_125 = arith.constant 0 : i32
      %dma_start3A_126 = tpu.memref_slice %arg4[%add3A_122, %dma_start3A_125] : memref<16384x1024xf32, #tpu.memory_space<hbm>> -> memref<16x1024xf32, #tpu.memory_space<hbm>>
      tpu.enqueue_dma source(%arg7 : memref<16x1024xf32, #tpu.memory_space<vmem>>) target(%dma_start3A_126 : memref<16x1024xf32, #tpu.memory_space<hbm>>) target_semaphore(%arg15 : memref<!tpu.dma_semaphore, #tpu.memory_space<semaphore_mem>>)
      %ge3A_127 = arith.constant 1 : i32
      %ge3A_128 = arith.cmpi sge, %scan3A_72, %ge3A_127 : i32
      %convert_element_type3A_129 = arith.extui %ge3A_128 : i1 to i32
      %cond3A_130 = arith.constant 0 : i32
      %cond3A_131 = arith.cmpi ne, %convert_element_type3A_129, %cond3A_130 : i32
      scf.if %cond3A_131 {
        %dma_wait3A_191 = arith.constant 0 : i32
        %dma_wait3A_192 = arith.constant 0 : i32
        %dma_wait3A_193 = tpu.memref_slice %arg4[%dma_wait3A_191, %dma_wait3A_192] : memref<16384x1024xf32, #tpu.memory_space<hbm>> -> memref<16x1024xf32, #tpu.memory_space<hbm>>
        %dma_wait3A_194 = arith.constant 0 : i32
        %dma_wait3A_195 = arith.constant 0 : i32
        %dma_wait3A_196 = tpu.memref_slice %arg4[%dma_wait3A_194, %dma_wait3A_195] : memref<16384x1024xf32, #tpu.memory_space<hbm>> -> memref<16x1024xf32, #tpu.memory_space<hbm>>
        tpu.wait_dma2 semaphore(%arg17 : memref<!tpu.dma_semaphore, #tpu.memory_space<semaphore_mem>>) src(%arg9 : memref<16x1024xf32, #tpu.memory_space<vmem>>) dst(%dma_wait3A_196 : memref<16x1024xf32, #tpu.memory_space<hbm>>)
      } else {
      }
      %add3A_132 = arith.constant 1 : i32
      %add3A_133 = arith.addi %mul3A_74, %add3A_132 : i32
      %add3A_134 = arith.constant 2 : i32
      %add3A_135 = arith.addi %add3A_133, %add3A_134 : i32
      %mul3A_136 = arith.constant 16 : i32
      %mul3A_137 = arith.muli %add3A_135, %mul3A_136 : i32
      %dma_start3A_138 = tpu.memref_slice %arg5[%mul3A_137] : memref<512xi32, #tpu.memory_space<vmem>> -> memref<16xi32, #tpu.memory_space<vmem>>
      %dma_start3A_139 = arith.constant 0 : i32
      %dma_start3A_140 = arith.constant 0 : i32
      %dma_start3A_141 = tpu.memref_slice %arg3[%dma_start3A_139, %dma_start3A_140] : memref<100000x1024xf32, #tpu.memory_space<hbm>> -> memref<100000x1024xf32, #tpu.memory_space<hbm>>
      tpu.enqueue_indirect_dma source(%dma_start3A_141 : memref<100000x1024xf32, #tpu.memory_space<hbm>>) target(%arg9 : memref<16x1024xf32, #tpu.memory_space<vmem>>) offsets(%dma_start3A_138 : memref<16xi32, #tpu.memory_space<vmem>>) semaphore(%arg13 : memref<!tpu.dma_semaphore, #tpu.memory_space<semaphore_mem>>)
      %dma_wait3A_142 = arith.constant 0 : i32
      %dma_wait3A_143 = tpu.memref_slice %arg5[%dma_wait3A_142] : memref<512xi32, #tpu.memory_space<vmem>> -> memref<16xi32, #tpu.memory_space<vmem>>
      %dma_wait3A_144 = arith.constant 0 : i32
      %dma_wait3A_145 = arith.constant 0 : i32
      %dma_wait3A_146 = tpu.memref_slice %arg3[%dma_wait3A_144, %dma_wait3A_145] : memref<100000x1024xf32, #tpu.memory_space<hbm>> -> memref<100000x1024xf32, #tpu.memory_space<hbm>>
      tpu.wait_indirect_dma semaphore(%arg12 : memref<!tpu.dma_semaphore, #tpu.memory_space<semaphore_mem>>) src(%dma_wait3A_146 : memref<100000x1024xf32, #tpu.memory_space<hbm>>) dst(%arg8 : memref<16x1024xf32, #tpu.memory_space<vmem>>)
      %scan3A_147 = arith.constant 0 : i32
      %scan3A_148 = arith.constant 0 : i32
      %scan3A_149 = arith.constant 16 : i32
      %scan3A_150 = arith.addi %scan3A_148, %scan3A_149 : i32
      %scan3A_151 = arith.constant 1 : i32
      scf.for %scan3A_191 = %scan3A_148 to %scan3A_150 step %scan3A_151  : i32 {
        %parallel_loop3A = arith.constant 0 : i32
        %parallel_loop3A_192 = arith.constant 64 : i32
        %parallel_loop3A_193 = arith.constant 1 : i32
        scf.for %parallel_loop3A_194 = %parallel_loop3A to %parallel_loop3A_192 step %parallel_loop3A_193  : i32 {
          %parallel_loop3A_195 = arith.constant 16 : i32
          %parallel_loop3A_196 = arith.muli %parallel_loop3A_194, %parallel_loop3A_195 : i32
          %parallel_loop3A_197 = arith.index_cast %scan3A_191 : i32 to index
          %parallel_loop3A_198 = arith.index_cast %parallel_loop3A_196 : i32 to index
          %parallel_loop3A_199 = tpu.vector_load %arg8[%parallel_loop3A_197, %parallel_loop3A_198] {strides = array<i32>} : memref<16x1024xf32, #tpu.memory_space<vmem>>, vector<1x16xf32>,
          %parallel_loop3A_200 = vector.shape_cast %parallel_loop3A_199 : vector<1x16xf32> to vector<16xf32>
          %parallel_loop3A_201 = arith.constant 3.200000e+01 : f32
          %parallel_loop3A_202 = vector.broadcast %parallel_loop3A_201 : f32 to vector<16xf32>
          %parallel_loop3A_203 = arith.mulf %parallel_loop3A_200, %parallel_loop3A_202 : vector<16xf32>
          %parallel_loop3A_204 = arith.index_cast %scan3A_191 : i32 to index
          %parallel_loop3A_205 = arith.index_cast %parallel_loop3A_196 : i32 to index
          %parallel_loop3A_206 = tpu.vector_load %arg8[%parallel_loop3A_204, %parallel_loop3A_205] {strides = array<i32>} : memref<16x1024xf32, #tpu.memory_space<vmem>>, vector<1x16xf32>,
          %parallel_loop3A_207 = vector.shape_cast %parallel_loop3A_206 : vector<1x16xf32> to vector<16xf32>
          %parallel_loop3A_208 = vector.shape_cast %parallel_loop3A_203 : vector<16xf32> to vector<1x16xf32>
          tpu.vector_store %arg8[%parallel_loop3A_204, %parallel_loop3A_205], %parallel_loop3A_208 {strides = array<i32>} : memref<16x1024xf32, #tpu.memory_space<vmem>>, vector<1x16xf32>,
        } {sc.loop_unroll_factor = 8 : i64, sc.parallel_access}
      }
      %scan3A_152 = arith.constant 16 : i32
      %add3A_153 = arith.constant 2 : i32
      %add3A_154 = arith.addi %mul3A_74, %add3A_153 : i32
      %mul3A_155 = arith.constant 16 : i32
      %mul3A_156 = arith.muli %add3A_154, %mul3A_155 : i32
      %add3A_157 = arith.addi %mul3A_2, %mul3A_156 : i32
      %dma_start3A_158 = arith.constant 0 : i32
      %dma_start3A_159 = tpu.memref_slice %arg4[%add3A_157, %dma_start3A_158] : memref<16384x1024xf32, #tpu.memory_space<hbm>> -> memref<16x1024xf32, #tpu.memory_space<hbm>>
      %dma_start3A_160 = arith.constant 0 : i32
      %dma_start3A_161 = tpu.memref_slice %arg4[%add3A_157, %dma_start3A_160] : memref<16384x1024xf32, #tpu.memory_space<hbm>> -> memref<16x1024xf32, #tpu.memory_space<hbm>>
      tpu.enqueue_dma source(%arg8 : memref<16x1024xf32, #tpu.memory_space<vmem>>) target(%dma_start3A_161 : memref<16x1024xf32, #tpu.memory_space<hbm>>) target_semaphore(%arg16 : memref<!tpu.dma_semaphore, #tpu.memory_space<semaphore_mem>>)
      %le3A = arith.constant 6 : i32
      %le3A_162 = arith.cmpi sle, %scan3A_72, %le3A : i32
      %convert_element_type3A_163 = arith.extui %le3A_162 : i1 to i32
      %cond3A_164 = arith.constant 0 : i32
      %cond3A_165 = arith.cmpi ne, %convert_element_type3A_163, %cond3A_164 : i32
      scf.if %cond3A_165 {
        %dma_wait3A_191 = arith.constant 0 : i32
        %dma_wait3A_192 = arith.constant 0 : i32
        %dma_wait3A_193 = tpu.memref_slice %arg4[%dma_wait3A_191, %dma_wait3A_192] : memref<16384x1024xf32, #tpu.memory_space<hbm>> -> memref<16x1024xf32, #tpu.memory_space<hbm>>
        %dma_wait3A_194 = arith.constant 0 : i32
        %dma_wait3A_195 = arith.constant 0 : i32
        %dma_wait3A_196 = tpu.memref_slice %arg4[%dma_wait3A_194, %dma_wait3A_195] : memref<16384x1024xf32, #tpu.memory_space<hbm>> -> memref<16x1024xf32, #tpu.memory_space<hbm>>
        tpu.wait_dma2 semaphore(%arg14 : memref<!tpu.dma_semaphore, #tpu.memory_space<semaphore_mem>>) src(%arg6 : memref<16x1024xf32, #tpu.memory_space<vmem>>) dst(%dma_wait3A_196 : memref<16x1024xf32, #tpu.memory_space<hbm>>)
        %add3A_197 = arith.constant 2 : i32
        %add3A_198 = arith.addi %mul3A_74, %add3A_197 : i32
        %add3A_199 = arith.constant 2 : i32
        %add3A_200 = arith.addi %add3A_198, %add3A_199 : i32
        %mul3A_201 = arith.constant 16 : i32
        %mul3A_202 = arith.muli %add3A_200, %mul3A_201 : i32
        %dma_start3A_203 = tpu.memref_slice %arg5[%mul3A_202] : memref<512xi32, #tpu.memory_space<vmem>> -> memref<16xi32, #tpu.memory_space<vmem>>
        %dma_start3A_204 = arith.constant 0 : i32
        %dma_start3A_205 = arith.constant 0 : i32
        %dma_start3A_206 = tpu.memref_slice %arg3[%dma_start3A_204, %dma_start3A_205] : memref<100000x1024xf32, #tpu.memory_space<hbm>> -> memref<100000x1024xf32, #tpu.memory_space<hbm>>
        tpu.enqueue_indirect_dma source(%dma_start3A_206 : memref<100000x1024xf32, #tpu.memory_space<hbm>>) target(%arg6 : memref<16x1024xf32, #tpu.memory_space<vmem>>) offsets(%dma_start3A_203 : memref<16xi32, #tpu.memory_space<vmem>>) semaphore(%arg10 : memref<!tpu.dma_semaphore, #tpu.memory_space<semaphore_mem>>)
      } else {
      }
      %dma_wait3A_166 = arith.constant 0 : i32
      %dma_wait3A_167 = tpu.memref_slice %arg5[%dma_wait3A_166] : memref<512xi32, #tpu.memory_space<vmem>> -> memref<16xi32, #tpu.memory_space<vmem>>
      %dma_wait3A_168 = arith.constant 0 : i32
      %dma_wait3A_169 = arith.constant 0 : i32
      %dma_wait3A_170 = tpu.memref_slice %arg3[%dma_wait3A_168, %dma_wait3A_169] : memref<100000x1024xf32, #tpu.memory_space<hbm>> -> memref<100000x1024xf32, #tpu.memory_space<hbm>>
      tpu.wait_indirect_dma semaphore(%arg13 : memref<!tpu.dma_semaphore, #tpu.memory_space<semaphore_mem>>) src(%dma_wait3A_170 : memref<100000x1024xf32, #tpu.memory_space<hbm>>) dst(%arg9 : memref<16x1024xf32, #tpu.memory_space<vmem>>)
      %scan3A_171 = arith.constant 0 : i32
      %scan3A_172 = arith.constant 0 : i32
      %scan3A_173 = arith.constant 16 : i32
      %scan3A_174 = arith.addi %scan3A_172, %scan3A_173 : i32
      %scan3A_175 = arith.constant 1 : i32
      scf.for %scan3A_191 = %scan3A_172 to %scan3A_174 step %scan3A_175  : i32 {
        %parallel_loop3A = arith.constant 0 : i32
        %parallel_loop3A_192 = arith.constant 64 : i32
        %parallel_loop3A_193 = arith.constant 1 : i32
        scf.for %parallel_loop3A_194 = %parallel_loop3A to %parallel_loop3A_192 step %parallel_loop3A_193  : i32 {
          %parallel_loop3A_195 = arith.constant 16 : i32
          %parallel_loop3A_196 = arith.muli %parallel_loop3A_194, %parallel_loop3A_195 : i32
          %parallel_loop3A_197 = arith.index_cast %scan3A_191 : i32 to index
          %parallel_loop3A_198 = arith.index_cast %parallel_loop3A_196 : i32 to index
          %parallel_loop3A_199 = tpu.vector_load %arg9[%parallel_loop3A_197, %parallel_loop3A_198] {strides = array<i32>} : memref<16x1024xf32, #tpu.memory_space<vmem>>, vector<1x16xf32>,
          %parallel_loop3A_200 = vector.shape_cast %parallel_loop3A_199 : vector<1x16xf32> to vector<16xf32>
          %parallel_loop3A_201 = arith.constant 3.200000e+01 : f32
          %parallel_loop3A_202 = vector.broadcast %parallel_loop3A_201 : f32 to vector<16xf32>
          %parallel_loop3A_203 = arith.mulf %parallel_loop3A_200, %parallel_loop3A_202 : vector<16xf32>
          %parallel_loop3A_204 = arith.index_cast %scan3A_191 : i32 to index
          %parallel_loop3A_205 = arith.index_cast %parallel_loop3A_196 : i32 to index
          %parallel_loop3A_206 = tpu.vector_load %arg9[%parallel_loop3A_204, %parallel_loop3A_205] {strides = array<i32>} : memref<16x1024xf32, #tpu.memory_space<vmem>>, vector<1x16xf32>,
          %parallel_loop3A_207 = vector.shape_cast %parallel_loop3A_206 : vector<1x16xf32> to vector<16xf32>
          %parallel_loop3A_208 = vector.shape_cast %parallel_loop3A_203 : vector<16xf32> to vector<1x16xf32>
          tpu.vector_store %arg9[%parallel_loop3A_204, %parallel_loop3A_205], %parallel_loop3A_208 {strides = array<i32>} : memref<16x1024xf32, #tpu.memory_space<vmem>>, vector<1x16xf32>,
        } {sc.loop_unroll_factor = 8 : i64, sc.parallel_access}
      }
      %scan3A_176 = arith.constant 16 : i32
      %add3A_177 = arith.constant 3 : i32
      %add3A_178 = arith.addi %mul3A_74, %add3A_177 : i32
      %mul3A_179 = arith.constant 16 : i32
      %mul3A_180 = arith.muli %add3A_178, %mul3A_179 : i32
      %add3A_181 = arith.addi %mul3A_2, %mul3A_180 : i32
      %dma_start3A_182 = arith.constant 0 : i32
      %dma_start3A_183 = tpu.memref_slice %arg4[%add3A_181, %dma_start3A_182] : memref<16384x1024xf32, #tpu.memory_space<hbm>> -> memref<16x1024xf32, #tpu.memory_space<hbm>>
      %dma_start3A_184 = arith.constant 0 : i32
      %dma_start3A_185 = tpu.memref_slice %arg4[%add3A_181, %dma_start3A_184] : memref<16384x1024xf32, #tpu.memory_space<hbm>> -> memref<16x1024xf32, #tpu.memory_space<hbm>>
      tpu.enqueue_dma source(%arg9 : memref<16x1024xf32, #tpu.memory_space<vmem>>) target(%dma_start3A_185 : memref<16x1024xf32, #tpu.memory_space<hbm>>) target_semaphore(%arg17 : memref<!tpu.dma_semaphore, #tpu.memory_space<semaphore_mem>>)
      %le3A_186 = arith.constant 6 : i32
      %le3A_187 = arith.cmpi sle, %scan3A_72, %le3A_186 : i32
      %convert_element_type3A_188 = arith.extui %le3A_187 : i1 to i32
      %cond3A_189 = arith.constant 0 : i32
      %cond3A_190 = arith.cmpi ne, %convert_element_type3A_188, %cond3A_189 : i32
      scf.if %cond3A_190 {
        %dma_wait3A_191 = arith.constant 0 : i32
        %dma_wait3A_192 = arith.constant 0 : i32
        %dma_wait3A_193 = tpu.memref_slice %arg4[%dma_wait3A_191, %dma_wait3A_192] : memref<16384x1024xf32, #tpu.memory_space<hbm>> -> memref<16x1024xf32, #tpu.memory_space<hbm>>
        %dma_wait3A_194 = arith.constant 0 : i32
        %dma_wait3A_195 = arith.constant 0 : i32
        %dma_wait3A_196 = tpu.memref_slice %arg4[%dma_wait3A_194, %dma_wait3A_195] : memref<16384x1024xf32, #tpu.memory_space<hbm>> -> memref<16x1024xf32, #tpu.memory_space<hbm>>
        tpu.wait_dma2 semaphore(%arg15 : memref<!tpu.dma_semaphore, #tpu.memory_space<semaphore_mem>>) src(%arg7 : memref<16x1024xf32, #tpu.memory_space<vmem>>) dst(%dma_wait3A_196 : memref<16x1024xf32, #tpu.memory_space<hbm>>)
        %add3A_197 = arith.constant 3 : i32
        %add3A_198 = arith.addi %mul3A_74, %add3A_197 : i32
        %add3A_199 = arith.constant 2 : i32
        %add3A_200 = arith.addi %add3A_198, %add3A_199 : i32
        %mul3A_201 = arith.constant 16 : i32
        %mul3A_202 = arith.muli %add3A_200, %mul3A_201 : i32
        %dma_start3A_203 = tpu.memref_slice %arg5[%mul3A_202] : memref<512xi32, #tpu.memory_space<vmem>> -> memref<16xi32, #tpu.memory_space<vmem>>
        %dma_start3A_204 = arith.constant 0 : i32
        %dma_start3A_205 = arith.constant 0 : i32
        %dma_start3A_206 = tpu.memref_slice %arg3[%dma_start3A_204, %dma_start3A_205] : memref<100000x1024xf32, #tpu.memory_space<hbm>> -> memref<100000x1024xf32, #tpu.memory_space<hbm>>
        tpu.enqueue_indirect_dma source(%dma_start3A_206 : memref<100000x1024xf32, #tpu.memory_space<hbm>>) target(%arg7 : memref<16x1024xf32, #tpu.memory_space<vmem>>) offsets(%dma_start3A_203 : memref<16xi32, #tpu.memory_space<vmem>>) semaphore(%arg11 : memref<!tpu.dma_semaphore, #tpu.memory_space<semaphore_mem>>)
      } else {
      }
    }
    %scan3A_48 = arith.constant 8 : i32
    %dma_wait3A = arith.constant 0 : i32
    %dma_wait3A_49 = arith.constant 0 : i32
    %dma_wait3A_50 = tpu.memref_slice %arg4[%dma_wait3A, %dma_wait3A_49] : memref<16384x1024xf32, #tpu.memory_space<hbm>> -> memref<16x1024xf32, #tpu.memory_space<hbm>>
    %dma_wait3A_51 = arith.constant 0 : i32
    %dma_wait3A_52 = arith.constant 0 : i32
    %dma_wait3A_53 = tpu.memref_slice %arg4[%dma_wait3A_51, %dma_wait3A_52] : memref<16384x1024xf32, #tpu.memory_space<hbm>> -> memref<16x1024xf32, #tpu.memory_space<hbm>>
    tpu.wait_dma2 semaphore(%arg14 : memref<!tpu.dma_semaphore, #tpu.memory_space<semaphore_mem>>) src(%arg6 : memref<16x1024xf32, #tpu.memory_space<vmem>>) dst(%dma_wait3A_53 : memref<16x1024xf32, #tpu.memory_space<hbm>>)
    %dma_wait3A_54 = arith.constant 0 : i32
    %dma_wait3A_55 = arith.constant 0 : i32
    %dma_wait3A_56 = tpu.memref_slice %arg4[%dma_wait3A_54, %dma_wait3A_55] : memref<16384x1024xf32, #tpu.memory_space<hbm>> -> memref<16x1024xf32, #tpu.memory_space<hbm>>
    %dma_wait3A_57 = arith.constant 0 : i32
    %dma_wait3A_58 = arith.constant 0 : i32
    %dma_wait3A_59 = tpu.memref_slice %arg4[%dma_wait3A_57, %dma_wait3A_58] : memref<16384x1024xf32, #tpu.memory_space<hbm>> -> memref<16x1024xf32, #tpu.memory_space<hbm>>
    tpu.wait_dma2 semaphore(%arg15 : memref<!tpu.dma_semaphore, #tpu.memory_space<semaphore_mem>>) src(%arg7 : memref<16x1024xf32, #tpu.memory_space<vmem>>) dst(%dma_wait3A_59 : memref<16x1024xf32, #tpu.memory_space<hbm>>)
    %dma_wait3A_60 = arith.constant 0 : i32
    %dma_wait3A_61 = arith.constant 0 : i32
    %dma_wait3A_62 = tpu.memref_slice %arg4[%dma_wait3A_60, %dma_wait3A_61] : memref<16384x1024xf32, #tpu.memory_space<hbm>> -> memref<16x1024xf32, #tpu.memory_space<hbm>>
    %dma_wait3A_63 = arith.constant 0 : i32
    %dma_wait3A_64 = arith.constant 0 : i32
    %dma_wait3A_65 = tpu.memref_slice %arg4[%dma_wait3A_63, %dma_wait3A_64] : memref<16384x1024xf32, #tpu.memory_space<hbm>> -> memref<16x1024xf32, #tpu.memory_space<hbm>>
    tpu.wait_dma2 semaphore(%arg16 : memref<!tpu.dma_semaphore, #tpu.memory_space<semaphore_mem>>) src(%arg8 : memref<16x1024xf32, #tpu.memory_space<vmem>>) dst(%dma_wait3A_65 : memref<16x1024xf32, #tpu.memory_space<hbm>>)
    %dma_wait3A_66 = arith.constant 0 : i32
    %dma_wait3A_67 = arith.constant 0 : i32
    %dma_wait3A_68 = tpu.memref_slice %arg4[%dma_wait3A_66, %dma_wait3A_67] : memref<16384x1024xf32, #tpu.memory_space<hbm>> -> memref<16x1024xf32, #tpu.memory_space<hbm>>
    %dma_wait3A_69 = arith.constant 0 : i32
    %dma_wait3A_70 = arith.constant 0 : i32
    %dma_wait3A_71 = tpu.memref_slice %arg4[%dma_wait3A_69, %dma_wait3A_70] : memref<16384x1024xf32, #tpu.memory_space<hbm>> -> memref<16x1024xf32, #tpu.memory_space<hbm>>
    tpu.wait_dma2 semaphore(%arg17 : memref<!tpu.dma_semaphore, #tpu.memory_space<semaphore_mem>>) src(%arg9 : memref<16x1024xf32, #tpu.memory_space<vmem>>) dst(%dma_wait3A_71 : memref<16x1024xf32, #tpu.memory_space<hbm>>)
    return
  }
}

</mosaic_0001>

<sc_bundles>
// kernel: _emb.3.cloned.1.call-start
scs
__scs_entry_jumppad:
0x0: {  	(pc) =	sbr.rel $0x88, $3  }
0x1: {  	(tag) =	ssettag $0x0;
	lr =	simm.s32 $0x1  }
0x2: {  	[smem:$0x3F9F] =	sst lr;
	_ =	strace $0xD0000000  }
0x3: {  	_ = 	snop  }
0x4: {  	_ = 	snop  }
0x5: {  	_ = 	snop  }
0x6: {  	_ = 	snop  }
0x7: {  	_ = 	snop  }
__scs_overlays_trampoline_lowered:
0x8: {  	[smem:$0x3FAE] =	sst s0  }
0x9: {  	[smem:$0x3FAF] =	sst s1  }
0xa: {  	[smem:$0x3FB0] =	sst s2  }
0xb: {  	[smem:$0x3FB1] =	sst s3  }
0xc: {  	[smem:$0x3FB2] =	sst s4  }
0xd: {  	[smem:$0x3FB3] =	sst s5  }
0xe: {  	[smem:$0x3FB4] =	sst s6  }
0xf: {  	[smem:$0x3FB5] =	sst s7  }
0x10: {  	[smem:$0x3FB6] =	sst s8  }
0x11: {  	[smem:$0x3FB7] =	sst s9;
	s0 =	simm.s32 @!p0 $0x0  }
0x12: {  	s1 =	sld [smem:$0x3F9D];
	s0 =	simm.s32 @p0 $0x1  }
0x13: {  	[smem:$0x3FB8] =	sst s0;
	s0 =	simm.s32 @!p1 $0x0  }
0x14: {  	s2 =	sld [smem:$0x3F9C];
	s0 =	simm.s32 @p1 $0x1  }
0x15: {  	[smem:$0x3FB9] =	sst s0;
	s0 =	simm.s32 @!p2 $0x0  }
0x16: {  	s3 =	sld [smem:$0x3FDB];
	s0 =	simm.s32 @p2 $0x1  }
0x17: {  	s4 =	simm.s32 $0x1BF5;
	[smem:$0x3FBB] =	sst s0  }
0x18: {  	s0 =	sld [smem:$0x3F9E];
	_ =	swait.ge [sflag:s4], $0x0  }
0x19: {  	s7 =	sld [smem:$0x3F9F]  }
0x1a: {  	s8 =	sadd.s32 $0xFFFFE003, lr  }
0x1b: {  	s9 =	sadd.s32 $0xFFFFFEF7, lr;
	s5 =	simm.s32 $0xFFFFFFFF;
	p2 =	slt.u32 s8, $0xFFFFF086  }
0x1c: {  	p1 =	slt.u32 s9, $0xF7A;
	s5 =	simm.s32 @!p2 $0x0  }
0x1d: {  	s5 =	simm.s32 @p1 $0x1;
	p0 =	seq.s32 s7, s2  }
0x1e: {  	s7 =	smul.u32 @!p0 $0xF7A, s2;
	p2 =	seq.s32 @!p0 s5, $0x0  }
0x1f: {  	s9 =	smul.u32 $0xF7A, s1;
	s8 =	simm.s32 @!p0 $0x1BF5;
	p2 =	por !p2, p0  }
0x20: {  	[sflag:s8] =	ssyncset.s32 @!p0 $0xFFFFF086;
	s6 =	sadd.s32 @!p0 s3, s7;
	s7 =	simm.s32 @!p0 $0x108  }
0x21: {  	s3 =	sadd.s32 s3, s9;
	s6 =	sadd.s32 @!p0 $0x88, s6;
	s7 =	simm.s32 @p2 $0x1082  }
0x22: {  	[simem:s7], [sflag:s8] =	dma.local @!p0 [hbm:s6], $0xF7A  }
0x23: {  	s9 =	sor.u32 $0xD0000000, s2;
	s6 =	simm.s32 $0x108;
	_ =	swait.ge @!p0 [sflag:s8], $0x0  }
0x24: {  	s3 =	sadd.s32 $0x88, s3;
	s6 =	simm.s32 @!p1 $0x1082;
	[sflag:s4] =	ssyncset.s32 $0xFFFFF086  }
0x25: {  	[simem:s6], [sflag:s4] =	dma.local [hbm:s3], $0xF7A  }
0x26: {  	[smem:$0x3F9F] =	sst s1;
	(tag) =	ssettag s2;
	_ =	strace s9  }
0x27: {  	s1 =	sld [smem:$0x3FAF]  }
0x28: {  	s2 =	sld [smem:$0x3FB0]  }
0x29: {  	s4 =	sld [smem:$0x3FB2]  }
0x2a: {  	p0 =	seq.s32 s5, $0x0;
	s5 =	sld [smem:$0x3FB3]  }
0x2b: {  	s6 =	sld [smem:$0x3FB4]  }
0x2c: {  	s7 =	sld [smem:$0x3FB5]  }
0x2d: {  	s3 =	simm.s32 $0x108;
	s8 =	sld [smem:$0x3FB6]  }
0x2e: {  	s3 =	simm.s32 @!p0 $0x1082;
	s9 =	sld [smem:$0x3FB7]  }
0x2f: {  	lr =	sadd.s32 s0, s3;
	s0 =	sld [smem:$0x3FAE]  }
0x30: {  	s3 =	sld [smem:$0x3FB1]  }
0x31: {  	[smem:$0x3FBA] =	sst s10  }
0x32: {  	s10 =	sld [smem:$0x3FB8];
	_ =	sdelay $0x3  }
0x33: {  	p0 =	seq.s32 s10, $0x1;
	s10 =	sld [smem:$0x3FBA];
	_ =	sdelay $0x3  }
0x34: {  	[smem:$0x3FBA] =	sst s10  }
0x35: {  	s10 =	sld [smem:$0x3FB9];
	_ =	sdelay $0x3  }
0x36: {  	p1 =	seq.s32 s10, $0x1;
	s10 =	sld [smem:$0x3FBA];
	_ =	sdelay $0x3  }
0x37: {  	[smem:$0x3FBA] =	sst s10  }
0x38: {  	s10 =	sld [smem:$0x3FBB]  }
0x39: {  	_ = 	snop;
	(pc) =	sbr.ind lr, $3  }
0x3a: {  	_ = 	snop  }
0x3b: {  	_ = 	snop  }
0x3c: {  	p2 =	seq.s32 s10, $0x1;
	s10 =	sld [smem:$0x3FBA]  }
0x3d: {  	_ =	shalt  }
0x3e: {  	_ =	shalt  }
0x3f: {  	_ =	shalt  }
0x40: {  	_ =	shalt  }
0x41: {  	_ =	shalt  }
0x42: {  	_ =	shalt  }
0x43: {  	_ =	shalt  }
0x44: {  	_ =	shalt  }
0x45: {  	_ =	shalt  }
0x46: {  	_ =	shalt  }
0x47: {  	_ =	shalt  }
0x48: {  	_ =	shalt  }
0x49: {  	_ =	shalt  }
0x4a: {  	_ =	shalt  }
0x4b: {  	_ =	shalt  }
0x4c: {  	_ =	shalt  }
0x4d: {  	_ =	shalt  }
0x4e: {  	_ =	shalt  }
0x4f: {  	_ =	shalt  }
0x50: {  	_ =	shalt  }
0x51: {  	_ =	shalt  }
0x52: {  	_ =	shalt  }
0x53: {  	_ =	shalt  }
0x54: {  	_ =	shalt  }
0x55: {  	_ =	shalt  }
0x56: {  	_ =	shalt  }
0x57: {  	_ =	shalt  }
0x58: {  	_ =	shalt  }
0x59: {  	_ =	shalt  }
0x5a: {  	_ =	shalt  }
0x5b: {  	_ =	shalt  }
0x5c: {  	_ =	shalt  }
0x5d: {  	_ =	shalt  }
0x5e: {  	_ =	shalt  }
0x5f: {  	_ =	shalt  }
0x60: {  	_ =	shalt  }
0x61: {  	_ =	shalt  }
0x62: {  	_ =	shalt  }
0x63: {  	_ =	shalt  }
0x64: {  	_ =	shalt  }
0x65: {  	_ =	shalt  }
0x66: {  	_ =	shalt  }
0x67: {  	_ =	shalt  }
0x68: {  	_ =	shalt  }
0x69: {  	_ =	shalt  }
0x6a: {  	_ =	shalt  }
0x6b: {  	_ =	shalt  }
0x6c: {  	_ =	shalt  }
0x6d: {  	_ =	shalt  }
0x6e: {  	_ =	shalt  }
0x6f: {  	_ =	shalt  }
0x70: {  	_ =	shalt  }
0x71: {  	_ =	shalt  }
0x72: {  	_ =	shalt  }
0x73: {  	_ =	shalt  }
0x74: {  	_ =	shalt  }
0x75: {  	_ =	shalt  }
0x76: {  	_ =	shalt  }
0x77: {  	_ =	shalt  }
0x78: {  	_ =	shalt  }
0x79: {  	_ =	shalt  }
0x7a: {  	_ =	shalt  }
0x7b: {  	_ =	shalt  }
0x7c: {  	_ =	shalt  }
0x7d: {  	_ =	shalt  }
0x7e: {  	_ =	shalt  }
0x7f: {  	_ =	shalt  }
0x80: {  	_ =	shalt  }
0x81: {  	_ =	shalt  }
0x82: {  	_ =	shalt  }
0x83: {  	_ =	shalt  }
0x84: {  	_ =	shalt  }
0x85: {  	_ =	shalt  }
0x86: {  	_ =	shalt  }
0x87: {  	_ =	shalt  }
.Lfunc_end0:
.L_simem_size_0:
called_computation_lowered:
.L_overlay_start_0:
0x88: {  	s2 =	sld [smem:$0x3FD9]  }
0x89: {  	s3 =	sld [smem:$0x3FFE];
	_ =	sdelay $0x1  }
0x8a: {  	s1 =	srdreg.scid  }
0x8b: {  	s0 =	sand.u32 $0x1, s1  }
0x8c: {  	s18 =	sshll.u32 s0, $0xA;
	s2 =	sadd.s32 s3, s2  }
0x8d: {  	s2 =	sadd.s32 s2, s18  }
0x8e: {  	[smem:$0x3FC6] =	sst s2  }
0x8f: {  	_ = 	snop  }
0x90: {  	s2 =	sld [smem:$0x3FC9]  }
0x91: {  	s19 =	sld [smem:$0x3FC8]  }
0x92: {  	s4 =	sld [smem:$0x3FD0];
	(tm) =	ssettm $0x1  }
0x93: {  	s5 =	sld [smem:$0x3FFB];
	_ =	sdelay $0x3  }
0x94: {  	_ =	strace s5  }
0x95: {  	s5 =	sld [smem:$0x3FFC];
	_ =	sdelay $0x3  }
0x96: {  	_ =	strace s5  }
0x97: {  	s5 =	sld [smem:$0x3FFD];
	_ =	sdelay $0x3  }
0x98: {  	_ =	strace s5  }
0x99: {  	_ =	strace $0x8FFFFFFF  }
0x9a: {  	s20 =	sld [smem:$0x3FDB];
	_ =	sdelay $0x1  }
0x9b: {  	s6 =	simm.s32 $_scs_section_size  }
0x9c: {  	s7 =	simm.s32 $_size__tile_overlayer_lowered;
	s8 =	simm.s32 $_tile_overlayer_lowered  }
0x9d: {  	s23 =	simm.s32 $0x1BFF;
	s22 =	sshll.u32 s8, $0x1;
	s5 =	sadd.s32 s6, s20  }
0x9e: {  	s9 =	simm.s32 $0x0;
	s21 =	sshll.u32 s7, $0x1;
	s7 =	sadd.s32 s22, s5  }
0x9f: {  	[timem:s9], [sflag:s23] =	dma.local [hbm:s7], s21  }
0xa0: {  	_ =	swait.ge [sflag:s23], s21  }
0xa1: {  	s6 =	ssub.s32 $0x0, s21;
	[sflag:s23] =	ssyncset.done $0x0  }
0xa2: {  	[sflag:s23] =	ssyncadd.s32 s6;
	_ =	sdelay $0x1  }
0xa3: {  	s24 =	simm.s32 $0x1B8B  }
0xa4: {  	_ =	swait.ge [sflag:s24], $0x1  }
0xa5: {  	[sflag:s24] =	ssyncset.done $0x0  }
0xa6: {  	s25 =	simm.s32 $0x1B8E;
	[sflag:s24] =	ssyncadd.s32 $0xFFFFFFFF  }
0xa7: {  	s26 =	simm.s32 $execute0_lowered;
	[smem:$0x3FD2] =	sst s25  }
0xa8: {  	s6 =	sshll.u32 s26, $0x1;
	_ =	strace $0x80000046;
	[dreg:$0x1] =	wrdreg $0xFFFFFFFF  }
0xa9: {  	s28 =	simm.s32 $_size_execute0_lowered;
	s5 =	sadd.s32 s5, s6;
	[dreg:$0x0] =	wrdreg $0x0  }
0xaa: {  	s6 =	sshll.u32 s28, $0x1;
	[dreg:$0x2] =	wrdreg s5  }
0xab: {  	[dreg:$0x3] =	wrdreg s6  }
0xac: {  	[dreg:$0x4] =	wrdreg $0xC0  }
0xad: {  	_ =	task [dreg:s9], $0x5FFFF  }
0xae: {  	[dreg:$0x1] =	wrdreg $0xFFFFFFFF  }
0xaf: {  	[dreg:$0x0] =	wrdreg $0x60  }
0xb0: {  	[dreg:$0x2] =	wrdreg s2  }
0xb1: {  	[dreg:$0x3] =	wrdreg s19  }
0xb2: {  	[dreg:$0x4] =	wrdreg s4  }
0xb3: {  	[dreg:$0x5] =	wrdreg $0x9  }
0xb4: {  	_ =	task.clear_ibuf [dreg:s9], $0x6FFFF;
	_ =	strace $0x90000046  }
0xb5: {  	s29 =	simm.s32 $0x9;
	_ =	strace $0x80000048  }
0xb6: {  	_ =	swait.ge [sflag:s29], $0x1  }
0xb7: {  	[sflag:s29] =	ssyncadd.s32 $0xFFFFFFFF  }
0xb8: {  	_ =	strace $0x90000048  }
0xb9: {  	_ =	sfence  }
0xba: {  	s30 =	sld [smem:$0x0];
	_ =	sdelay $0x2  }
0xbb: {  	s31 =	sshll.u32 s1, $0xD;
	s1 =	sshrl.u32 s1, $0x2  }
0xbc: {  	s3 =	sand.u32 $0x4000, s31;
	s1 =	sadd.s32 s1, s30  }
0xbd: {  	s0 =	sor.u32 s3, s0;
	s1 =	sshll.u32 s1, $0x11  }
0xbe: {  	s0 =	sor.u32 s1, s0  }
0xbf: {  	s0 =	sadd.s32 $0x8F2B, s0  }
0xc0: {  	[sflag:s0] =	ssyncadd.remote.s32 $0x1  }
0xc1: {  	_ =	sfence.sel $0xFFFF  }
0xc2: {  	[dreg:$0x0] =	wrdreg $0xFFFFFFFF;
	(pc) =	sbr.abs _section_cstart, $3  }
0xc3: {  	[dreg:$0x1] =	wrdreg $0xFFFFFFFF  }
0xc4: {  	_ =	task.clear_ibuf [dreg:s9], $0x2FFFF;
	_ =	strace $0x9FFFFFFF  }
0xc5: {  	(tm) =	ssettm $0x7FFFFFFF  }
tec
execute0_lowered:
.L_overlay_start_1:
0x0: {  	(tag) =	ssettag $0x1  }
0x1: {  	s0 =	rddreg [dreg:$0x0]  }
0x2: {  	s1 =	rddreg [dreg:$0x1]  }
0x3: {  	s2 =	rddreg [dreg:$0x2];
	s4 =	simm.s32 $0x0;
	s3 =	srdreg.scid  }
0x4: {  	s7 =	stileid.u32;
	s13 =	simm.s32 $0x200;
	s31 =	simm.s32 $0x1  }
0x5: {  	s20 =	simm.s32 $0x2;
	s21 =	simm.s32 $0xC200;
	s28 =	simm.s32 $0x3  }
0x6: {  	s29 =	simm.s32 $0x4;
	s30 =	simm.s32 $0x6;
	s11 =	simm.s32 $0x0  }
0x7: {  	[smem:$0x7FF] =	sst s4;
	s3 =	sand.u32 $0x1, s3;
	s5 =	sshll.u32 s7, $0x1  }
0x8: {  	s22 =	sshll.u32 s7, $0x2;
	s7 =	sadd.s32 $0x100, s1;
	s9 =	sadd.s32 $0x300, s1  }
0x9: {  	_ =	strace $0x80000047;
	s6 =	ssub.s32 $0x2, s3;
	s3 =	sor.u32 s3, s5  }
0xa: {  	s5 =	sand.u32 $0x30, s22;
	s22 =	simm.s32 $0x4200;
	s23 =	sshrl.u32 s6, $0x1  }
0xb: {  	s8 =	sshll.u32 s3, $0x8;
	s0 =	sadd.s32 s0, s5;
	s5 =	sshll.u32 s3, $0x9  }
.Ltmp0:
0xc: {  	s25 =	sshll.u32 s3, $0x10;
	s6 =	ssub.s32 s6, s23;
	(pc) =	sbr.rel .LBB2_1-.Ltmp0, $4  }
0xd: {  	s24 =	sand.u32 $0x700, s8;
	s8 =	sadd.s32 $0x200, s1;
	s10 =	sadd.s32 s2, s25  }
0xe: {  	v2 =	vlaneseq.u32;
	s23 =	simm.s32 $0xE200;
	s25 =	simm.s32 $0xF200;
	s0 =	sadd.s32 s24, s0  }
0xf: {  	vm0 =	vmmov $0xffff;
	v1 =	vshrl.u32 v2, $0x3;
	s26 =	smax.u32 s6, $0x1;
	s24 =	simm.s32 $0xEA00;
	[dreg:$0x4] =	wrdreg s0  }
0x10: {  	v0 =	vand.u32 $0x7, v2;
	v2 =	vor.u32 $0x8, v2;
	v1 =	vmul.u32 $0x8, v1;
	[dreg:$0x5] =	wrdreg s26;
	s0 =	simm.s32 $0x8200;
	s26 =	simm.s32 $0xFA00  }
.LBB2_20:
0x11: {  	s3 =	simm.s32 $0x5  }
0x12: {  	_ =	swait.ge [sflag:s3], $0x4000  }
0x13: {  	[sflag:s3] =	ssyncset.done $0x0  }
0x14: {  	[sflag:s3] =	ssyncadd.s32 $0xFFFFC000  }
0x15: {  	_ =	swait.ge [sflag:s30], $0x4000  }
0x16: {  	[sflag:s30] =	ssyncset.done $0x0  }
0x17: {  	s18 =	simm.s32 $0x7;
	[sflag:s30] =	ssyncadd.s32 $0xFFFFC000  }
0x18: {  	_ =	swait.ge [sflag:s18], $0x4000  }
0x19: {  	[sflag:s18] =	ssyncset.done $0x0  }
0x1a: {  	s6 =	simm.s32 $0x8;
	[sflag:s18] =	ssyncadd.s32 $0xFFFFC000  }
0x1b: {  	_ =	swait.ge [sflag:s6], $0x4000  }
0x1c: {  	s11 =	rddreg [dreg:$0x6]  }
0x1d: {  	s19 =	rddreg [dreg:$0x5];
	s11 =	sadd.s32 $0x1, s11  }
0x1e: {  	p0 =	sne.s32 s11, s19  }
.Ltmp1:
0x1f: {  	_ = 	snop;
	(pc) =	sbr.rel @!p0 .LBB2_21-.Ltmp1, $3  }
0x20: {  	_ =	sdelay $0x1  }
0x21: {  	[sflag:s6] =	ssyncset.done $0x0  }
0x22: {  	[sflag:s6] =	ssyncadd.s32 $0xFFFFC000  }
.LBB2_1:
0x23: {  	[dreg:$0x6] =	wrdreg s11  }
0x24: {  	s3 =	rddreg [dreg:$0x4];
	s6 =	simm.s32 $0x80;
	s14 =	simm.s32 $0x9  }
0x25: {  	[tilespmem:s4], [sflag:$0x9] =	stream.strided.gather [hbm4b:s3+s6], $0x200, s13, s6, $0x38;
	[tilespmem:$0x10200] =	vst v63  }
0x26: {  	_ =	swait.ge [sflag:s14], $0x200  }
0x27: {  	[sflag:s14] =	ssyncset.done $0x0  }
0x28: {  	[sflag:s14] =	ssyncadd.s32 $0xFFFFFE00  }
0x29: {  	v3 =	vld [tilespmem:$0x0];
	_ =	sdelay $0x4  }
0x2a: {  	v4 =	vshll.u32 v3, $0x3  }
0x2b: {  	v3 =	vand.u32 $0x7, v3;
	v4 =	vand.u32 $0xFFFFFFC0, v4  }
0x2c: {  	v3 =	vor.u32 v3, v4  }
0x2d: {  	v4 =	vperm.xlane v3, v0;
	_ =	sdelay $0x1  }
0x2e: {  	v4 =	vadd.s32 v1, v4;
	_ =	sdelay $0x4  }
0x2f: {  	[tilespmem:s13], [sflag:$0x1] =	stream.indirect_vreg.gather [hbm4b:s1+s4], $0x80, v4, vm0, $0xb8;
	[tilespmem:$0x10200] =	vst v63  }
0x30: {  	s15 =	simm.s32 $0xA00;
	v3 =	vperm.xlane v3, v2  }
0x31: {  	[tilespmem:s15], [sflag:$0x1] =	stream.indirect_vreg.gather [hbm4b:s7+s4], $0x80, v4, vm0, $0xb8;
	[tilespmem:$0x10200] =	vst v63  }
0x32: {  	s16 =	simm.s32 $0x1200;
	v3 =	vadd.s32 v1, v3  }
0x33: {  	[tilespmem:s16], [sflag:$0x1] =	stream.indirect_vreg.gather [hbm4b:s8+s4], $0x80, v4, vm0, $0xb8;
	[tilespmem:$0x10200] =	vst v63  }
0x34: {  	s17 =	simm.s32 $0x1A00  }
0x35: {  	[tilespmem:s17], [sflag:$0x1] =	stream.indirect_vreg.gather [hbm4b:s9+s4], $0x80, v4, vm0, $0xb8;
	[tilespmem:$0x10200] =	vst v63  }
0x36: {  	s18 =	simm.s32 $0x2200  }
0x37: {  	[tilespmem:s18], [sflag:$0x1] =	stream.indirect_vreg.gather [hbm4b:s1+s4], $0x80, v3, vm0, $0xb8;
	[tilespmem:$0x10200] =	vst v63  }
0x38: {  	s19 =	simm.s32 $0x2A00  }
0x39: {  	[tilespmem:s19], [sflag:$0x1] =	stream.indirect_vreg.gather [hbm4b:s7+s4], $0x80, v3, vm0, $0xb8;
	[tilespmem:$0x10200] =	vst v63  }
0x3a: {  	s6 =	simm.s32 $0x3200  }
0x3b: {  	[tilespmem:s6], [sflag:$0x1] =	stream.indirect_vreg.gather [hbm4b:s8+s4], $0x80, v3, vm0, $0xb8;
	[tilespmem:$0x10200] =	vst v63  }
0x3c: {  	s11 =	simm.s32 $0x3A00  }
0x3d: {  	[tilespmem:s11], [sflag:$0x1] =	stream.indirect_vreg.gather [hbm4b:s9+s4], $0x80, v3, vm0, $0xb8;
	[tilespmem:$0x10200] =	vst v63  }
0x3e: {  	v3 =	vld [tilespmem:$0x10];
	_ =	sdelay $0x4  }
0x3f: {  	v63 =	vshll.u32 v3, $0x3  }
0x40: {  	v3 =	vand.u32 $0x7, v3;
	v4 =	vand.u32 $0xFFFFFFC0, v63  }
0x41: {  	v3 =	vor.u32 v3, v4  }
0x42: {  	v4 =	vperm.xlane v3, v0;
	_ =	sdelay $0x1  }
0x43: {  	v4 =	vadd.s32 v1, v4;
	_ =	sdelay $0x4  }
0x44: {  	[tilespmem:s22], [sflag:$0x2] =	stream.indirect_vreg.gather [hbm4b:s1+s4], $0x80, v4, vm0, $0xb8;
	[tilespmem:$0x10200] =	vst v63  }
0x45: {  	s12 =	simm.s32 $0x4A00;
	v3 =	vperm.xlane v3, v2  }
0x46: {  	[tilespmem:s12], [sflag:$0x2] =	stream.indirect_vreg.gather [hbm4b:s7+s4], $0x80, v4, vm0, $0xb8;
	[tilespmem:$0x10200] =	vst v63  }
0x47: {  	s14 =	simm.s32 $0x5200;
	v3 =	vadd.s32 v1, v3  }
0x48: {  	[tilespmem:s14], [sflag:$0x2] =	stream.indirect_vreg.gather [hbm4b:s8+s4], $0x80, v4, vm0, $0xb8;
	[tilespmem:$0x10200] =	vst v63  }
0x49: {  	s15 =	simm.s32 $0x5A00  }
0x4a: {  	[tilespmem:s15], [sflag:$0x2] =	stream.indirect_vreg.gather [hbm4b:s9+s4], $0x80, v4, vm0, $0xb8;
	[tilespmem:$0x10200] =	vst v63  }
0x4b: {  	s16 =	simm.s32 $0x6200  }
0x4c: {  	[tilespmem:s16], [sflag:$0x2] =	stream.indirect_vreg.gather [hbm4b:s1+s4], $0x80, v3, vm0, $0xb8;
	[tilespmem:$0x10200] =	vst v63  }
0x4d: {  	s17 =	simm.s32 $0x6A00  }
0x4e: {  	[tilespmem:s17], [sflag:$0x2] =	stream.indirect_vreg.gather [hbm4b:s7+s4], $0x80, v3, vm0, $0xb8;
	[tilespmem:$0x10200] =	vst v63  }
0x4f: {  	s18 =	simm.s32 $0x7200  }
0x50: {  	[tilespmem:s18], [sflag:$0x2] =	stream.indirect_vreg.gather [hbm4b:s8+s4], $0x80, v3, vm0, $0xb8;
	[tilespmem:$0x10200] =	vst v63  }
0x51: {  	s3 =	simm.s32 $0x0;
	s19 =	simm.s32 $0x7A00  }
0x52: {  	[tilespmem:s19], [sflag:$0x2] =	stream.indirect_vreg.gather [hbm4b:s9+s4], $0x80, v3, vm0, $0xb8;
	[tilespmem:$0x10200] =	vst v63  }
.LBB2_2:
0x53: {  	_ =	swait.ge [sflag:s31], $0x4000  }
0x54: {  	s12 =	simm.s32 $0x0;
	[sflag:s31] =	ssyncset.done $0x0  }
0x55: {  	s15 =	simm.s32 $0x0;
	s16 =	simm.s32 $0x0;
	[sflag:s31] =	ssyncadd.s32 $0xFFFFC000  }
.LBB2_3:
0x56: {  	s6 =	sshll.u32 s15, $0x2;
	s11 =	sand.u32 $0x7, s12  }
0x57: {  	s6 =	sand.u32 $0xFFFF8000, s6;
	s11 =	sshll.u32 s11, $0x9  }
0x58: {  	s6 =	sor.u32 s11, s6  }
0x59: {  	s6 =	sshrl.u32 s6, $0x2  }
0x5a: {  	s17 =	sadd.s32 $0x240, s6  }
0x5b: {  	v5 =	vld [tilespmem:s17+$0x30]  }
0x5c: {  	v7 =	vld [tilespmem:s17+$0xFFFFFFD0]  }
0x5d: {  	v9 =	vld [tilespmem:s17+$0xFFFFFFE0]  }
0x5e: {  	v6 =	vld [tilespmem:s17+$0xFFFFFFF0]  }
0x5f: {  	v4 =	vld [tilespmem:s17+$0x0]  }
0x60: {  	v3 =	vld [tilespmem:s17+$0x10];
	v10 =	vmul.f32 $3.200000000e+01, v5  }
0x61: {  	v5 =	vld [tilespmem:s17+$0x20];
	v8 =	vmul.f32 $3.200000000e+01, v7  }
0x62: {  	s6 =	simm.s32 $0x0;
	s11 =	sadd.s32 $0x400, s17;
	v7 =	vld [tilespmem:s17+$0xFFFFFFC0];
	v9 =	vmul.f32 $3.200000000e+01, v9;
	[tilespmem:s17+$0x30] =	vst v10  }
.LBB2_4:
0x63: {  	v10 =	vld [tilespmem:s11+$0x30];
	s6 =	sadd.s32 $0x8, s6;
	[tilespmem:s17+$0xFFFFFFD0] =	vst v8;
	v6 =	vmul.f32 $3.200000000e+01, v6  }
0x64: {  	v8 =	vld [tilespmem:s11+$0xFFFFFFD0];
	p0 =	slt.u32 s6, $0x38;
	[tilespmem:s17+$0xFFFFFFE0] =	vst v9;
	v4 =	vmul.f32 $3.200000000e+01, v4  }
0x65: {  	v9 =	vld [tilespmem:s11+$0xFFFFFFE0];
	[tilespmem:s17+$0xFFFFFFF0] =	vst v6;
	v3 =	vmul.f32 $3.200000000e+01, v3  }
.Ltmp2:
0x66: {  	v6 =	vld [tilespmem:s11+$0xFFFFFFF0];
	[tilespmem:s17+$0x0] =	vst v4;
	v5 =	vmul.f32 $3.200000000e+01, v5;
	(pc) =	sbr.rel @p0 .LBB2_4-.Ltmp2, $4  }
0x67: {  	v4 =	vld [tilespmem:s11+$0x0];
	v7 =	vmul.f32 $3.200000000e+01, v7;
	[tilespmem:s17+$0x10] =	vst v3  }
0x68: {  	v3 =	vld [tilespmem:s11+$0x10];
	v10 =	vmul.f32 $3.200000000e+01, v10;
	[tilespmem:s17+$0x20] =	vst v5  }
0x69: {  	v8 =	vmul.f32 $3.200000000e+01, v8;
	v5 =	vld [tilespmem:s11+$0x20];
	[tilespmem:s17+$0xFFFFFFC0] =	vst v7;
	s17 =	smov.u32 s11  }
0x6a: {  	s11 =	sadd.s32 $0x400, s11;
	v7 =	vld [tilespmem:s17+$0xFFFFFFC0];
	v9 =	vmul.f32 $3.200000000e+01, v9;
	[tilespmem:s17+$0x30] =	vst v10  }
0x6b: {  	[tilespmem:s17+$0xFFFFFFD0] =	vst v8;
	v6 =	vmul.f32 $3.200000000e+01, v6;
	s16 =	sadd.s32 $0x1, s16  }
0x6c: {  	[tilespmem:s17+$0xFFFFFFE0] =	vst v9;
	v4 =	vmul.f32 $3.200000000e+01, v4;
	p0 =	sne.s32 s16, $0x10  }
.Ltmp3:
0x6d: {  	[tilespmem:s17+$0xFFFFFFF0] =	vst v6;
	v3 =	vmul.f32 $3.200000000e+01, v3;
	(pc) =	sbr.rel @p0 .LBB2_3-.Ltmp3, $4  }
0x6e: {  	[tilespmem:s17+$0x0] =	vst v4;
	v62 =	vmul.f32 $3.200000000e+01, v5  }
0x6f: {  	v63 =	vmul.f32 $3.200000000e+01, v7;
	[tilespmem:s17+$0x10] =	vst v3  }
0x70: {  	[tilespmem:s17+$0x20] =	vst v62  }
0x71: {  	s15 =	sadd.s32 $0x400, s15;
	s12 =	sadd.s32 $0x1, s12;
	[tilespmem:s17+$0xFFFFFFC0] =	vst v63  }
0x72: {  	s6 =	sshll.u32 s3, $0xD  }
0x73: {  	p0 =	seq.s32 s3, $0x0;
	s6 =	sadd.s32 s6, s10  }
0x74: {  	[hbm4b:s6+s4] =	stream.linear.scatter [tilespmem:s13], [sflag:$0x5], $0x4000, $0x38;
	[tilespmem:$0x10200] =	vst v63  }
0x75: {  	s6 =	simm.s32 @!p0 $0x7  }
0x76: {  	_ =	swait.ge @!p0 [sflag:s6], $0x4000  }
0x77: {  	[sflag:s6] =	ssyncset.done @!p0 $0x0  }
0x78: {  	s12 =	sshll.u32 s3, $0x6;
	[sflag:s6] =	ssyncadd.s32 @!p0 $0xFFFFC000  }
0x79: {  	v3 =	vld [tilespmem:s12+$0x20];
	_ =	sdelay $0x4  }
0x7a: {  	v4 =	vshll.u32 v3, $0x3  }
0x7b: {  	v3 =	vand.u32 $0x7, v3;
	v4 =	vand.u32 $0xFFFFFFC0, v4  }
0x7c: {  	v3 =	vor.u32 v3, v4  }
0x7d: {  	v4 =	vperm.xlane v3, v0;
	_ =	sdelay $0x1  }
0x7e: {  	v4 =	vadd.s32 v1, v4;
	_ =	sdelay $0x3  }
0x7f: {  	s15 =	simm.s32 $0x0  }
0x80: {  	[tilespmem:s0], [sflag:$0x3] =	stream.indirect_vreg.gather [hbm4b:s1+s15], $0x80, v4, vm0, $0xb8;
	[tilespmem:$0x10200] =	vst v63  }
0x81: {  	s19 =	simm.s32 $0x8A00;
	v3 =	vperm.xlane v3, v2  }
0x82: {  	[tilespmem:s19], [sflag:$0x3] =	stream.indirect_vreg.gather [hbm4b:s7+s15], $0x80, v4, vm0, $0xb8;
	[tilespmem:$0x10200] =	vst v63  }
0x83: {  	s11 =	simm.s32 $0x9200;
	v3 =	vadd.s32 v1, v3  }
0x84: {  	[tilespmem:s11], [sflag:$0x3] =	stream.indirect_vreg.gather [hbm4b:s8+s15], $0x80, v4, vm0, $0xb8;
	[tilespmem:$0x10200] =	vst v63  }
0x85: {  	s14 =	simm.s32 $0x9A00  }
0x86: {  	[tilespmem:s14], [sflag:$0x3] =	stream.indirect_vreg.gather [hbm4b:s9+s15], $0x80, v4, vm0, $0xb8;
	[tilespmem:$0x10200] =	vst v63  }
0x87: {  	s16 =	simm.s32 $0xA200  }
0x88: {  	[tilespmem:s16], [sflag:$0x3] =	stream.indirect_vreg.gather [hbm4b:s1+s15], $0x80, v3, vm0, $0xb8;
	[tilespmem:$0x10200] =	vst v63  }
0x89: {  	s17 =	simm.s32 $0xAA00  }
0x8a: {  	[tilespmem:s17], [sflag:$0x3] =	stream.indirect_vreg.gather [hbm4b:s7+s15], $0x80, v3, vm0, $0xb8;
	[tilespmem:$0x10200] =	vst v63  }
0x8b: {  	s18 =	simm.s32 $0xB200  }
0x8c: {  	[tilespmem:s18], [sflag:$0x3] =	stream.indirect_vreg.gather [hbm4b:s8+s15], $0x80, v3, vm0, $0xb8;
	[tilespmem:$0x10200] =	vst v63  }
0x8d: {  	s19 =	simm.s32 $0xBA00  }
0x8e: {  	[tilespmem:s19], [sflag:$0x3] =	stream.indirect_vreg.gather [hbm4b:s9+s15], $0x80, v3, vm0, $0xb8;
	[tilespmem:$0x10200] =	vst v63  }
0x8f: {  	_ =	swait.ge [sflag:s20], $0x4000  }
0x90: {  	s16 =	sor.u32 $0x20, s12;
	[sflag:s20] =	ssyncset.done $0x0  }
0x91: {  	s17 =	simm.s32 $0x0;
	s18 =	simm.s32 $0x0;
	[sflag:s20] =	ssyncadd.s32 $0xFFFFC000  }
.LBB2_7:
0x92: {  	s6 =	sshll.u32 s17, $0x2;
	s11 =	sand.u32 $0x7, s15  }
0x93: {  	s6 =	sand.u32 $0xFFFF8000, s6;
	s11 =	sshll.u32 s11, $0x9  }
0x94: {  	s6 =	sor.u32 s11, s6  }
0x95: {  	s6 =	sshrl.u32 s6, $0x2  }
0x96: {  	s19 =	sadd.s32 $0x4240, s6  }
0x97: {  	v5 =	vld [tilespmem:s19+$0x30]  }
0x98: {  	v7 =	vld [tilespmem:s19+$0xFFFFFFD0]  }
0x99: {  	v9 =	vld [tilespmem:s19+$0xFFFFFFE0]  }
0x9a: {  	v6 =	vld [tilespmem:s19+$0xFFFFFFF0]  }
0x9b: {  	v4 =	vld [tilespmem:s19+$0x0]  }
0x9c: {  	v3 =	vld [tilespmem:s19+$0x10];
	v10 =	vmul.f32 $3.200000000e+01, v5  }
0x9d: {  	v5 =	vld [tilespmem:s19+$0x20];
	v8 =	vmul.f32 $3.200000000e+01, v7  }
0x9e: {  	s6 =	simm.s32 $0x0;
	s11 =	sadd.s32 $0x400, s19;
	v7 =	vld [tilespmem:s19+$0xFFFFFFC0];
	v9 =	vmul.f32 $3.200000000e+01, v9;
	[tilespmem:s19+$0x30] =	vst v10  }
.LBB2_8:
0x9f: {  	v10 =	vld [tilespmem:s11+$0x30];
	s6 =	sadd.s32 $0x8, s6;
	[tilespmem:s19+$0xFFFFFFD0] =	vst v8;
	v6 =	vmul.f32 $3.200000000e+01, v6  }
0xa0: {  	v8 =	vld [tilespmem:s11+$0xFFFFFFD0];
	p1 =	slt.u32 s6, $0x38;
	[tilespmem:s19+$0xFFFFFFE0] =	vst v9;
	v4 =	vmul.f32 $3.200000000e+01, v4  }
0xa1: {  	v9 =	vld [tilespmem:s11+$0xFFFFFFE0];
	[tilespmem:s19+$0xFFFFFFF0] =	vst v6;
	v3 =	vmul.f32 $3.200000000e+01, v3  }
.Ltmp4:
0xa2: {  	v6 =	vld [tilespmem:s11+$0xFFFFFFF0];
	[tilespmem:s19+$0x0] =	vst v4;
	v5 =	vmul.f32 $3.200000000e+01, v5;
	(pc) =	sbr.rel @p1 .LBB2_8-.Ltmp4, $4  }
0xa3: {  	v4 =	vld [tilespmem:s11+$0x0];
	v7 =	vmul.f32 $3.200000000e+01, v7;
	[tilespmem:s19+$0x10] =	vst v3  }
0xa4: {  	v3 =	vld [tilespmem:s11+$0x10];
	v10 =	vmul.f32 $3.200000000e+01, v10;
	[tilespmem:s19+$0x20] =	vst v5  }
0xa5: {  	v8 =	vmul.f32 $3.200000000e+01, v8;
	v5 =	vld [tilespmem:s11+$0x20];
	[tilespmem:s19+$0xFFFFFFC0] =	vst v7;
	s19 =	smov.u32 s11  }
0xa6: {  	s11 =	sadd.s32 $0x400, s11;
	v7 =	vld [tilespmem:s19+$0xFFFFFFC0];
	v9 =	vmul.f32 $3.200000000e+01, v9;
	[tilespmem:s19+$0x30] =	vst v10  }
0xa7: {  	[tilespmem:s19+$0xFFFFFFD0] =	vst v8;
	v6 =	vmul.f32 $3.200000000e+01, v6;
	s18 =	sadd.s32 $0x1, s18  }
0xa8: {  	[tilespmem:s19+$0xFFFFFFE0] =	vst v9;
	v4 =	vmul.f32 $3.200000000e+01, v4;
	p1 =	sne.s32 s18, $0x10  }
.Ltmp5:
0xa9: {  	[tilespmem:s19+$0xFFFFFFF0] =	vst v6;
	v3 =	vmul.f32 $3.200000000e+01, v3;
	(pc) =	sbr.rel @p1 .LBB2_7-.Ltmp5, $4  }
0xaa: {  	[tilespmem:s19+$0x0] =	vst v4;
	v62 =	vmul.f32 $3.200000000e+01, v5  }
0xab: {  	v63 =	vmul.f32 $3.200000000e+01, v7;
	[tilespmem:s19+$0x10] =	vst v3  }
0xac: {  	[tilespmem:s19+$0x20] =	vst v62  }
0xad: {  	s17 =	sadd.s32 $0x400, s17;
	s15 =	sadd.s32 $0x1, s15;
	[tilespmem:s19+$0xFFFFFFC0] =	vst v63  }
0xae: {  	s6 =	sadd.s32 s12, s5  }
0xaf: {  	s6 =	sshll.u32 s6, $0x7  }
0xb0: {  	s6 =	sadd.s32 s2, s6  }
0xb1: {  	s6 =	sadd.s32 $0x800, s6  }
0xb2: {  	[hbm4b:s6+s4] =	stream.linear.scatter [tilespmem:s22], [sflag:$0x6], $0x4000, $0x38;
	[tilespmem:$0x10200] =	vst v63  }
0xb3: {  	s6 =	simm.s32 @!p0 $0x8  }
0xb4: {  	_ =	swait.ge @!p0 [sflag:s6], $0x4000  }
0xb5: {  	[sflag:s6] =	ssyncset.done @!p0 $0x0  }
0xb6: {  	s15 =	sor.u32 $0x30, s12;
	[sflag:s6] =	ssyncadd.s32 @!p0 $0xFFFFC000  }
0xb7: {  	v3 =	vld [tilespmem:s15+$0x0];
	_ =	sdelay $0x4  }
0xb8: {  	v4 =	vshll.u32 v3, $0x3  }
0xb9: {  	v3 =	vand.u32 $0x7, v3;
	v4 =	vand.u32 $0xFFFFFFC0, v4  }
0xba: {  	v3 =	vor.u32 v3, v4  }
0xbb: {  	v4 =	vperm.xlane v3, v0;
	_ =	sdelay $0x1  }
0xbc: {  	v4 =	vadd.s32 v1, v4;
	_ =	sdelay $0x3  }
0xbd: {  	s17 =	simm.s32 $0x0  }
0xbe: {  	[tilespmem:s21], [sflag:$0x4] =	stream.indirect_vreg.gather [hbm4b:s1+s17], $0x80, v4, vm0, $0xb8;
	[tilespmem:$0x10200] =	vst v63  }
0xbf: {  	s14 =	simm.s32 $0xCA00;
	v3 =	vperm.xlane v3, v2  }
0xc0: {  	[tilespmem:s14], [sflag:$0x4] =	stream.indirect_vreg.gather [hbm4b:s7+s17], $0x80, v4, vm0, $0xb8;
	[tilespmem:$0x10200] =	vst v63  }
0xc1: {  	s18 =	simm.s32 $0xD200;
	v3 =	vadd.s32 v1, v3  }
0xc2: {  	[tilespmem:s18], [sflag:$0x4] =	stream.indirect_vreg.gather [hbm4b:s8+s17], $0x80, v4, vm0, $0xb8;
	[tilespmem:$0x10200] =	vst v63  }
0xc3: {  	s19 =	simm.s32 $0xDA00  }
0xc4: {  	[tilespmem:s19], [sflag:$0x4] =	stream.indirect_vreg.gather [hbm4b:s9+s17], $0x80, v4, vm0, $0xb8;
	[tilespmem:$0x10200] =	vst v63  }
0xc5: {  	_ = 	snop  }
0xc6: {  	[tilespmem:s23], [sflag:$0x4] =	stream.indirect_vreg.gather [hbm4b:s1+s17], $0x80, v3, vm0, $0xb8;
	[tilespmem:$0x10200] =	vst v63  }
0xc7: {  	_ = 	snop  }
0xc8: {  	[tilespmem:s24], [sflag:$0x4] =	stream.indirect_vreg.gather [hbm4b:s7+s17], $0x80, v3, vm0, $0xb8;
	[tilespmem:$0x10200] =	vst v63  }
0xc9: {  	_ = 	snop  }
0xca: {  	[tilespmem:s25], [sflag:$0x4] =	stream.indirect_vreg.gather [hbm4b:s8+s17], $0x80, v3, vm0, $0xb8;
	[tilespmem:$0x10200] =	vst v63  }
0xcb: {  	_ = 	snop  }
0xcc: {  	[tilespmem:s26], [sflag:$0x4] =	stream.indirect_vreg.gather [hbm4b:s9+s17], $0x80, v3, vm0, $0xb8;
	[tilespmem:$0x10200] =	vst v63  }
0xcd: {  	_ =	swait.ge [sflag:s28], $0x4000  }
0xce: {  	[sflag:s28] =	ssyncset.done $0x0  }
0xcf: {  	s18 =	simm.s32 $0x0;
	s19 =	simm.s32 $0x0;
	[sflag:s28] =	ssyncadd.s32 $0xFFFFC000  }
.LBB2_11:
0xd0: {  	s6 =	sshll.u32 s18, $0x2;
	s11 =	sand.u32 $0x7, s17  }
0xd1: {  	s6 =	sand.u32 $0xFFFF8000, s6;
	s11 =	sshll.u32 s11, $0x9  }
0xd2: {  	s6 =	sor.u32 s11, s6  }
0xd3: {  	s6 =	sshrl.u32 s6, $0x2  }
0xd4: {  	s6 =	sadd.s32 $0x8240, s6  }
0xd5: {  	v5 =	vld [tilespmem:s6+$0x30]  }
0xd6: {  	v7 =	vld [tilespmem:s6+$0xFFFFFFD0]  }
0xd7: {  	v9 =	vld [tilespmem:s6+$0xFFFFFFE0]  }
0xd8: {  	v6 =	vld [tilespmem:s6+$0xFFFFFFF0]  }
0xd9: {  	v4 =	vld [tilespmem:s6+$0x0]  }
0xda: {  	v3 =	vld [tilespmem:s6+$0x10];
	v10 =	vmul.f32 $3.200000000e+01, v5  }
0xdb: {  	v5 =	vld [tilespmem:s6+$0x20];
	v8 =	vmul.f32 $3.200000000e+01, v7  }
0xdc: {  	s11 =	simm.s32 $0x0;
	s14 =	sadd.s32 $0x400, s6;
	v7 =	vld [tilespmem:s6+$0xFFFFFFC0];
	v9 =	vmul.f32 $3.200000000e+01, v9;
	[tilespmem:s6+$0x30] =	vst v10  }
.LBB2_12:
0xdd: {  	v10 =	vld [tilespmem:s14+$0x30];
	s11 =	sadd.s32 $0x8, s11;
	[tilespmem:s6+$0xFFFFFFD0] =	vst v8;
	v6 =	vmul.f32 $3.200000000e+01, v6  }
0xde: {  	v8 =	vld [tilespmem:s14+$0xFFFFFFD0];
	p0 =	slt.u32 s11, $0x38;
	[tilespmem:s6+$0xFFFFFFE0] =	vst v9;
	v4 =	vmul.f32 $3.200000000e+01, v4  }
0xdf: {  	v9 =	vld [tilespmem:s14+$0xFFFFFFE0];
	[tilespmem:s6+$0xFFFFFFF0] =	vst v6;
	v3 =	vmul.f32 $3.200000000e+01, v3  }
.Ltmp6:
0xe0: {  	v6 =	vld [tilespmem:s14+$0xFFFFFFF0];
	[tilespmem:s6+$0x0] =	vst v4;
	v5 =	vmul.f32 $3.200000000e+01, v5;
	(pc) =	sbr.rel @p0 .LBB2_12-.Ltmp6, $4  }
0xe1: {  	v4 =	vld [tilespmem:s14+$0x0];
	v7 =	vmul.f32 $3.200000000e+01, v7;
	[tilespmem:s6+$0x10] =	vst v3  }
0xe2: {  	v3 =	vld [tilespmem:s14+$0x10];
	v10 =	vmul.f32 $3.200000000e+01, v10;
	[tilespmem:s6+$0x20] =	vst v5  }
0xe3: {  	v8 =	vmul.f32 $3.200000000e+01, v8;
	v5 =	vld [tilespmem:s14+$0x20];
	[tilespmem:s6+$0xFFFFFFC0] =	vst v7;
	s6 =	smov.u32 s14  }
0xe4: {  	s14 =	sadd.s32 $0x400, s14;
	v7 =	vld [tilespmem:s6+$0xFFFFFFC0];
	v9 =	vmul.f32 $3.200000000e+01, v9;
	[tilespmem:s6+$0x30] =	vst v10  }
0xe5: {  	[tilespmem:s6+$0xFFFFFFD0] =	vst v8;
	v6 =	vmul.f32 $3.200000000e+01, v6;
	s19 =	sadd.s32 $0x1, s19  }
0xe6: {  	[tilespmem:s6+$0xFFFFFFE0] =	vst v9;
	v4 =	vmul.f32 $3.200000000e+01, v4;
	p0 =	sne.s32 s19, $0x10  }
.Ltmp7:
0xe7: {  	[tilespmem:s6+$0xFFFFFFF0] =	vst v6;
	v3 =	vmul.f32 $3.200000000e+01, v3;
	(pc) =	sbr.rel @p0 .LBB2_11-.Ltmp7, $4  }
0xe8: {  	[tilespmem:s6+$0x0] =	vst v4;
	v62 =	vmul.f32 $3.200000000e+01, v5  }
0xe9: {  	v63 =	vmul.f32 $3.200000000e+01, v7;
	[tilespmem:s6+$0x10] =	vst v3  }
0xea: {  	[tilespmem:s6+$0x20] =	vst v62  }
0xeb: {  	s18 =	sadd.s32 $0x400, s18;
	s17 =	sadd.s32 $0x1, s17;
	[tilespmem:s6+$0xFFFFFFC0] =	vst v63  }
0xec: {  	s6 =	sadd.s32 s5, s16  }
0xed: {  	s6 =	sshll.u32 s6, $0x7  }
0xee: {  	p0 =	seq.s32 s3, $0x7;
	s6 =	sadd.s32 s2, s6  }
0xef: {  	[hbm4b:s6+s4] =	stream.linear.scatter [tilespmem:s0], [sflag:$0x7], $0x4000, $0x38;
	[tilespmem:$0x10200] =	vst v63  }
0xf0: {  	s6 =	simm.s32 @!p0 $0x5  }
0xf1: {  	_ =	swait.ge @!p0 [sflag:s6], $0x4000  }
0xf2: {  	s11 =	sshll.u32 @!p0 s3, $0x6;
	[sflag:s6] =	ssyncset.done @!p0 $0x0  }
0xf3: {  	[sflag:s6] =	ssyncadd.s32 @!p0 $0xFFFFC000;
	s6 =	sand.u32 @!p0 $0x3FFFFFC0, s11  }
0xf4: {  	v3 =	vld @!p0 [tilespmem:s6+$0x40];
	_ =	sdelay $0x4  }
0xf5: {  	v4 =	vshll.u32 @!p0 v3, $0x3  }
0xf6: {  	v5 =	vlaneseq.u32 @!p0;
	v3 =	vand.u32 @!p0 $0x7, v3;
	v4 =	vand.u32 @!p0 $0xFFFFFFC0, v4  }
0xf7: {  	v6 =	vshrl.u32 @!p0 v5, $0x3;
	v3 =	vor.u32 @!p0 v3, v4;
	v4 =	vand.u32 @!p0 $0x7, v5  }
0xf8: {  	v6 =	vmul.u32 @!p0 $0x8, v6;
	v4 =	vperm.xlane @!p0 v3, v4;
	_ =	sdelay $0x1  }
0xf9: {  	v4 =	vadd.s32 @!p0 v6, v4;
	_ =	sdelay $0x3  }
0xfa: {  	vm1 =	vmmov @!p0 $0xffff;
	s11 =	simm.s32 @!p0 $0x200;
	s6 =	simm.s32 @!p0 $0x0  }
0xfb: {  	v5 =	vor.u32 @!p0 $0x8, v5;
	[tilespmem:s11], [sflag:$0x1] =	stream.indirect_vreg.gather @!p0 [hbm4b:s1+s6], $0x80, v4, vm1, $0xb8;
	[tilespmem:$0x10200] =	vst v63  }
0xfc: {  	v3 =	vperm.xlane @!p0 v3, v5;
	s11 =	simm.s32 @!p0 $0xA00  }
0xfd: {  	[tilespmem:s11], [sflag:$0x1] =	stream.indirect_vreg.gather @!p0 [hbm4b:s7+s6], $0x80, v4, vm1, $0xb8;
	[tilespmem:$0x10200] =	vst v63  }
0xfe: {  	v3 =	vadd.s32 @!p0 v6, v3;
	s11 =	simm.s32 @!p0 $0x1200  }
0xff: {  	[tilespmem:s11], [sflag:$0x1] =	stream.indirect_vreg.gather @!p0 [hbm4b:s8+s6], $0x80, v4, vm1, $0xb8;
	[tilespmem:$0x10200] =	vst v63  }
0x100: {  	s11 =	simm.s32 @!p0 $0x1A00  }
0x101: {  	[tilespmem:s11], [sflag:$0x1] =	stream.indirect_vreg.gather @!p0 [hbm4b:s9+s6], $0x80, v4, vm1, $0xb8;
	[tilespmem:$0x10200] =	vst v63  }
0x102: {  	s11 =	simm.s32 @!p0 $0x2200  }
0x103: {  	[tilespmem:s11], [sflag:$0x1] =	stream.indirect_vreg.gather @!p0 [hbm4b:s1+s6], $0x80, v3, vm1, $0xb8;
	[tilespmem:$0x10200] =	vst v63  }
0x104: {  	s11 =	simm.s32 @!p0 $0x2A00  }
0x105: {  	[tilespmem:s11], [sflag:$0x1] =	stream.indirect_vreg.gather @!p0 [hbm4b:s7+s6], $0x80, v3, vm1, $0xb8;
	[tilespmem:$0x10200] =	vst v63  }
0x106: {  	s11 =	simm.s32 @!p0 $0x3200  }
0x107: {  	[tilespmem:s11], [sflag:$0x1] =	stream.indirect_vreg.gather @!p0 [hbm4b:s8+s6], $0x80, v3, vm1, $0xb8;
	[tilespmem:$0x10200] =	vst v63  }
0x108: {  	s11 =	simm.s32 @!p0 $0x3A00  }
0x109: {  	[tilespmem:s11], [sflag:$0x1] =	stream.indirect_vreg.gather @!p0 [hbm4b:s9+s6], $0x80, v3, vm1, $0xb8;
	[tilespmem:$0x10200] =	vst v63  }
0x10a: {  	_ =	swait.ge [sflag:s29], $0x4000  }
0x10b: {  	s16 =	simm.s32 $0x0;
	[sflag:s29] =	ssyncset.done $0x0  }
0x10c: {  	s17 =	simm.s32 $0x0;
	s18 =	simm.s32 $0x0;
	[sflag:s29] =	ssyncadd.s32 $0xFFFFC000  }
.LBB2_15:
0x10d: {  	s6 =	sshll.u32 s17, $0x2;
	s11 =	sand.u32 $0x7, s16  }
0x10e: {  	s6 =	sand.u32 $0xFFFF8000, s6;
	s11 =	sshll.u32 s11, $0x9  }
0x10f: {  	s6 =	sor.u32 s11, s6  }
0x110: {  	s6 =	sshrl.u32 s6, $0x2  }
0x111: {  	s6 =	sadd.s32 $0xC240, s6  }
0x112: {  	v5 =	vld [tilespmem:s6+$0x30]  }
0x113: {  	v7 =	vld [tilespmem:s6+$0xFFFFFFD0]  }
0x114: {  	v9 =	vld [tilespmem:s6+$0xFFFFFFE0]  }
0x115: {  	v6 =	vld [tilespmem:s6+$0xFFFFFFF0]  }
0x116: {  	v4 =	vld [tilespmem:s6+$0x0]  }
0x117: {  	v3 =	vld [tilespmem:s6+$0x10];
	v10 =	vmul.f32 $3.200000000e+01, v5  }
0x118: {  	v5 =	vld [tilespmem:s6+$0x20];
	v8 =	vmul.f32 $3.200000000e+01, v7  }
0x119: {  	s11 =	simm.s32 $0x0;
	s14 =	sadd.s32 $0x400, s6;
	v7 =	vld [tilespmem:s6+$0xFFFFFFC0];
	v9 =	vmul.f32 $3.200000000e+01, v9;
	[tilespmem:s6+$0x30] =	vst v10  }
.LBB2_16:
0x11a: {  	v10 =	vld [tilespmem:s14+$0x30];
	s11 =	sadd.s32 $0x8, s11;
	[tilespmem:s6+$0xFFFFFFD0] =	vst v8;
	v6 =	vmul.f32 $3.200000000e+01, v6  }
0x11b: {  	v8 =	vld [tilespmem:s14+$0xFFFFFFD0];
	p1 =	slt.u32 s11, $0x38;
	[tilespmem:s6+$0xFFFFFFE0] =	vst v9;
	v4 =	vmul.f32 $3.200000000e+01, v4  }
0x11c: {  	v9 =	vld [tilespmem:s14+$0xFFFFFFE0];
	[tilespmem:s6+$0xFFFFFFF0] =	vst v6;
	v3 =	vmul.f32 $3.200000000e+01, v3  }
.Ltmp8:
0x11d: {  	v6 =	vld [tilespmem:s14+$0xFFFFFFF0];
	[tilespmem:s6+$0x0] =	vst v4;
	v5 =	vmul.f32 $3.200000000e+01, v5;
	(pc) =	sbr.rel @p1 .LBB2_16-.Ltmp8, $4  }
0x11e: {  	v4 =	vld [tilespmem:s14+$0x0];
	v7 =	vmul.f32 $3.200000000e+01, v7;
	[tilespmem:s6+$0x10] =	vst v3  }
0x11f: {  	v3 =	vld [tilespmem:s14+$0x10];
	v10 =	vmul.f32 $3.200000000e+01, v10;
	[tilespmem:s6+$0x20] =	vst v5  }
0x120: {  	v8 =	vmul.f32 $3.200000000e+01, v8;
	v5 =	vld [tilespmem:s14+$0x20];
	[tilespmem:s6+$0xFFFFFFC0] =	vst v7;
	s6 =	smov.u32 s14  }
0x121: {  	s14 =	sadd.s32 $0x400, s14;
	v7 =	vld [tilespmem:s6+$0xFFFFFFC0];
	v9 =	vmul.f32 $3.200000000e+01, v9;
	[tilespmem:s6+$0x30] =	vst v10  }
0x122: {  	[tilespmem:s6+$0xFFFFFFD0] =	vst v8;
	v6 =	vmul.f32 $3.200000000e+01, v6;
	s18 =	sadd.s32 $0x1, s18  }
0x123: {  	[tilespmem:s6+$0xFFFFFFE0] =	vst v9;
	v4 =	vmul.f32 $3.200000000e+01, v4;
	p1 =	sne.s32 s18, $0x10  }
.Ltmp9:
0x124: {  	[tilespmem:s6+$0xFFFFFFF0] =	vst v6;
	v3 =	vmul.f32 $3.200000000e+01, v3;
	(pc) =	sbr.rel @p1 .LBB2_15-.Ltmp9, $4  }
0x125: {  	[tilespmem:s6+$0x0] =	vst v4;
	v62 =	vmul.f32 $3.200000000e+01, v5  }
0x126: {  	v63 =	vmul.f32 $3.200000000e+01, v7;
	[tilespmem:s6+$0x10] =	vst v3  }
0x127: {  	[tilespmem:s6+$0x20] =	vst v62  }
0x128: {  	s17 =	sadd.s32 $0x400, s17;
	s16 =	sadd.s32 $0x1, s16;
	[tilespmem:s6+$0xFFFFFFC0] =	vst v63  }
.Ltmp10:
0x129: {  	(pc) =	sbr.rel @p0 .LBB2_20-.Ltmp10, $4  }
0x12a: {  	s6 =	sadd.s32 s5, s15  }
0x12b: {  	s6 =	sshll.u32 s6, $0x7  }
0x12c: {  	s6 =	sadd.s32 s2, s6  }
0x12d: {  	[hbm4b:s6+s4] =	stream.linear.scatter [tilespmem:s21], [sflag:$0x8], $0x4000, $0x38;
	[tilespmem:$0x10200] =	vst v63  }
0x12e: {  	_ =	swait.ge [sflag:s30], $0x4000  }
0x12f: {  	[sflag:s30] =	ssyncset.done $0x0  }
0x130: {  	s6 =	sand.u32 $0x3FFFFFC0, s12;
	[sflag:s30] =	ssyncadd.s32 $0xFFFFC000  }
0x131: {  	v3 =	vld [tilespmem:s6+$0x50];
	_ =	sdelay $0x4  }
0x132: {  	v4 =	vshll.u32 v3, $0x3  }
0x133: {  	v3 =	vand.u32 $0x7, v3;
	v4 =	vand.u32 $0xFFFFFFC0, v4  }
0x134: {  	v3 =	vor.u32 v3, v4  }
0x135: {  	v4 =	vperm.xlane v3, v0;
	_ =	sdelay $0x1  }
0x136: {  	v4 =	vadd.s32 v1, v4;
	_ =	sdelay $0x4  }
0x137: {  	[tilespmem:s22], [sflag:$0x2] =	stream.indirect_vreg.gather [hbm4b:s1+s4], $0x80, v4, vm0, $0xb8;
	[tilespmem:$0x10200] =	vst v63  }
0x138: {  	s12 =	simm.s32 $0x4A00;
	v3 =	vperm.xlane v3, v2  }
0x139: {  	[tilespmem:s12], [sflag:$0x2] =	stream.indirect_vreg.gather [hbm4b:s7+s4], $0x80, v4, vm0, $0xb8;
	[tilespmem:$0x10200] =	vst v63  }
0x13a: {  	s14 =	simm.s32 $0x5200;
	v3 =	vadd.s32 v1, v3  }
0x13b: {  	[tilespmem:s14], [sflag:$0x2] =	stream.indirect_vreg.gather [hbm4b:s8+s4], $0x80, v4, vm0, $0xb8;
	[tilespmem:$0x10200] =	vst v63  }
0x13c: {  	s15 =	simm.s32 $0x5A00  }
0x13d: {  	[tilespmem:s15], [sflag:$0x2] =	stream.indirect_vreg.gather [hbm4b:s9+s4], $0x80, v4, vm0, $0xb8;
	[tilespmem:$0x10200] =	vst v63  }
0x13e: {  	s16 =	simm.s32 $0x6200  }
0x13f: {  	[tilespmem:s16], [sflag:$0x2] =	stream.indirect_vreg.gather [hbm4b:s1+s4], $0x80, v3, vm0, $0xb8;
	[tilespmem:$0x10200] =	vst v63  }
0x140: {  	s17 =	simm.s32 $0x6A00  }
0x141: {  	[tilespmem:s17], [sflag:$0x2] =	stream.indirect_vreg.gather [hbm4b:s7+s4], $0x80, v3, vm0, $0xb8;
	[tilespmem:$0x10200] =	vst v63  }
.Ltmp11:
0x142: {  	_ = 	snop;
	(pc) =	sbr.rel .LBB2_2-.Ltmp11, $4  }
0x143: {  	s18 =	simm.s32 $0x7200  }
0x144: {  	[tilespmem:s18], [sflag:$0x2] =	stream.indirect_vreg.gather [hbm4b:s8+s4], $0x80, v3, vm0, $0xb8;
	[tilespmem:$0x10200] =	vst v63  }
0x145: {  	s19 =	simm.s32 $0x7A00;
	s3 =	sadd.s32 $0x1, s3  }
0x146: {  	[tilespmem:s19], [sflag:$0x2] =	stream.indirect_vreg.gather [hbm4b:s9+s4], $0x80, v3, vm0, $0xb8;
	[tilespmem:$0x10200] =	vst v63  }
.LBB2_21:
0x147: {  	_ =	sfence.sel $0x180000  }
0x148: {  	[bflag:$0x0] =	sbarrier.arrive $0xFFFF  }
0x149: {  	_ =	strace $0x90000047  }
0x14a: {  	s0 =	stileid.u32;
	[bflag:$0x2] =	sbarrier.arrive $0xFFFF  }
0x14b: {  	p0 =	sne.s32 s0, $0x0;
	s0 =	rddreg [dreg:$0x3]  }
0x14c: {  	s0 =	sadd.s32 @!p0 $0x100000, s0  }
0x14d: {  	[sflag:s0] =	ssyncadd.tile.s32 @!p0 $0x1;
	_ =	shalt  }
.Lfunc_end2:
_tile_overlayer_lowered:
.L_overlay_start_2:
0x14e: {  	(tag) =	ssettag $0x2  }
0x14f: {  	s0 =	rddreg [dreg:$0x0];
	s2 =	stileid.u32  }
0x150: {  	s1 =	rddreg [dreg:$0x1];
	p0 =	sne.s32 s2, $0x0  }
0x151: {  	s3 =	rddreg [dreg:$0x2];
	[bflag:$0x3] =	sbarrier.arrive $0xFFFF;
	s2 =	simm.s32 @!p0 $0x1C09  }
0x152: {  	[timem:s3], [sflag:s2] =	dma.local @!p0 [hbm:s0], s1  }
0x153: {  	s0 =	simm.s32 @!p0 $0x9  }
0x154: {  	_ =	swait.ge @!p0 [sflag:s0], s1  }
0x155: {  	s1 =	ssub.s32 @!p0 $0x0, s1;
	[sflag:s0] =	ssyncset.done @!p0 $0x0  }
0x156: {  	[sflag:s0] =	ssyncadd.s32 @!p0 s1  }
0x157: {  	[bflag:$0x3] =	sbarrier.arrive $0xFFFF  }
0x158: {  	_ =	shalt  }

</sc_bundles>
